<compile_context>
chip_gen: v7x
topology: tpu7x:2x2x1
jax: 0.10.2.dev20260603
libtpu: 0.0.44.dev20260713+nightly
codegen_flags: <defaults>
</compile_context>

<pallas_src>
import functools

import jax
import jax.numpy as jnp
from jax import lax
from jax.experimental import pallas as pl
from jax.experimental.pallas import tpu as pltpu
from jax.experimental.pallas import tpu_sc as plsc

_B = 1024
_F = 1000
_FP = 1008
_K = 32

_NC = 2
_NS = 16
_NW = _NC * _NS
_ROWS = _B // _NW
_L = 16

_BBLK = 1024


def _sc_hist_body(x_hbm, counts_hbm, x_v, hist_v, sem0, sem1, sem2):
    wid = lax.axis_index("s") * _NC + lax.axis_index("c")
    base = wid * _ROWS
    cp0 = pltpu.async_copy(x_hbm.at[pl.ds(base, _L)], x_v.at[pl.ds(0, _L)],
                           sem0)
    cp1 = pltpu.async_copy(x_hbm.at[pl.ds(base + _L, _L)],
                           x_v.at[pl.ds(_L, _L)], sem1)

    zeros = jnp.zeros((_L,), jnp.float32)

    @plsc.parallel_loop(0, _ROWS, 1, unroll=2)
    def _zero(r):
        for c in range(_FP // _L):
            hist_v[r, pl.ds(c * _L, _L)] = zeros

    ones = jnp.ones((_L,), jnp.float32)
    lane = lax.iota(jnp.int32, _L)

    cp0.wait()

    @plsc.parallel_loop(0, _F, 1, unroll=8)
    def _feat0(f):
        fv = jnp.full((_L,), f, dtype=jnp.int32)
        ids = plsc.load_gather(x_v, [lane, fv])
        plsc.addupdate_scatter(hist_v, [lane, ids], ones)

    out0 = pltpu.async_copy(hist_v.at[pl.ds(0, _L)],
                            counts_hbm.at[pl.ds(base, _L)], sem2)
    cp1.wait()
    rows1 = lane + _L

    @plsc.parallel_loop(0, _F, 1, unroll=8)
    def _feat1(f):
        fv = jnp.full((_L,), f, dtype=jnp.int32)
        ids = plsc.load_gather(x_v, [rows1, fv])
        plsc.addupdate_scatter(hist_v, [rows1, ids], ones)

    out0.wait()
    pltpu.sync_copy(hist_v.at[pl.ds(_L, _L)],
                    counts_hbm.at[pl.ds(base + _L, _L)])


def _sc_counts(x):
    mesh = plsc.VectorSubcoreMesh(core_axis_name="c", subcore_axis_name="s")
    return pl.kernel(
        _sc_hist_body,
        out_type=jax.ShapeDtypeStruct((_B, _FP), jnp.float32),
        mesh=mesh,
        compiler_params=pltpu.CompilerParams(
            use_tc_tiling_on_sc=False, needs_layout_passes=False),
        scratch_types=[
            pltpu.VMEM((_ROWS, _F), jnp.int32),
            pltpu.VMEM((_ROWS, _FP), jnp.float32),
            pltpu.SemaphoreType.DMA,
            pltpu.SemaphoreType.DMA,
            pltpu.SemaphoreType.DMA,
        ],
    )(x)


def _tc_body(counts_ref, emb_ref, w1_ref, b1_ref, w2_ref, b2_ref, w3_ref,
             b3_ref, out_ref, embp_v):
    @pl.when(pl.program_id(0) == 0)
    def _prep():
        emb = emb_ref[...]
        ee = jnp.concatenate([emb, emb * emb], axis=1)
        pad = jnp.zeros((_FP - _F, 2 * _K), jnp.float32)
        eef = jnp.concatenate([ee, pad], axis=0)
        e_hi = eef.astype(jnp.bfloat16)
        e_lo = (eef - e_hi.astype(jnp.float32)).astype(jnp.bfloat16)
        embp_v[...] = jnp.concatenate([e_hi, e_lo], axis=1)

    c16 = counts_ref[...].astype(jnp.bfloat16)
    sb2 = jnp.dot(c16, embp_v[...],
                  preferred_element_type=jnp.float32)
    sb = sb2[:, :2 * _K] + sb2[:, 2 * _K:]
    s = sb[:, :_K]
    ss = sb[:, _K:]
    bi = 0.5 * (s * s - ss)
    h = jnp.maximum(jnp.dot(bi, w1_ref[...]) + b1_ref[...], 0.0)
    h = jnp.maximum(jnp.dot(h, w2_ref[...]) + b2_ref[...], 0.0)
    out_ref[...] = jnp.dot(h, w3_ref[...]) + b3_ref[...]


def _tc_mlp(counts, emb, W1, b1, W2, b2, W3, b3):
    nblk = _B // _BBLK
    full = lambda shape: pl.BlockSpec(shape, lambda i: (0, 0))
    return pl.pallas_call(
        _tc_body,
        grid=(nblk,),
        in_specs=[
            pl.BlockSpec((_BBLK, _FP), lambda i: (i, 0)),
            full((_F, _K)),
            full(W1.shape), full(b1.shape),
            full(W2.shape), full(b2.shape),
            full(W3.shape), full(b3.shape),
        ],
        out_specs=pl.BlockSpec((_BBLK, 1), lambda i: (i, 0)),
        out_shape=jax.ShapeDtypeStruct((_B, 1), jnp.float32),
        scratch_shapes=[pltpu.VMEM((_FP, 4 * _K), jnp.bfloat16)],
    )(counts, emb, W1, b1, W2, b2, W3, b3)


@jax.jit
def kernel(x, emb, W1, b1, W2, b2, W3, b3):
    counts = _sc_counts(x.astype(jnp.int32))
    return _tc_mlp(counts, emb, W1,
                   b1.reshape(1, -1), W2, b2.reshape(1, -1), W3,
                   b3.reshape(1, 1))

# --- scband reference (transcript-rebuilt; emitter-appended) ---
"""Pipeline reference for scband-nfm-24910810317599 (READ-ONLY COPY).

The authoritative reference and input builder live on the scoring server;
editing this copy changes nothing except your own understanding.
"""

import jax, jax.numpy as jnp
import numpy as np

NUM_FEATURES = 1000
K = 32
HIDDEN_DIMS = [64, 32]
BATCH = 1024

def setup_inputs(seed: int = 0) -> dict:
    key = jax.random.key(seed)
    ks = jax.random.split(key, 8)
    x = jax.random.randint(ks[0], (BATCH, NUM_FEATURES), 0, NUM_FEATURES, dtype=jnp.int64 if jax.config.jax_enable_x64 else jnp.int32)
    emb = jax.random.normal(ks[1], (NUM_FEATURES, K), dtype=jnp.float32) * 0.02
    W1 = jax.random.normal(ks[2], (K, HIDDEN_DIMS[0]), dtype=jnp.float32) * (1.0 / np.sqrt(K))
    b1 = jnp.zeros((HIDDEN_DIMS[0],), dtype=jnp.float32)
    W2 = jax.random.normal(ks[3], (HIDDEN_DIMS[0], HIDDEN_DIMS[1]), dtype=jnp.float32) * (1.0 / np.sqrt(HIDDEN_DIMS[0]))
    b2 = jnp.zeros((HIDDEN_DIMS[1],), dtype=jnp.float32)
    W3 = jax.random.normal(ks[4], (HIDDEN_DIMS[1], 1), dtype=jnp.float32) * (1.0 / np.sqrt(HIDDEN_DIMS[1]))
    b3 = jnp.zeros((1,), dtype=jnp.float32)
    return {"x": x, "emb": emb, "W1": W1, "b1": b1, "W2": W2, "b2": b2, "W3": W3, "b3": b3}

def reference(x, emb, W1, b1, W2, b2, W3, b3):
    # embedding lookup: [B, F] -> [B, F, K]
    x_embed = jnp.take(emb, x, axis=0).reshape(-1, NUM_FEATURES, K)
    # Bi-Interaction pooling
    square_of_sum = jnp.square(jnp.sum(x_embed, axis=1))        # [B, K]
    sum_of_square = jnp.sum(jnp.square(x_embed), axis=1)        # [B, K]
    bi_interaction = 0.5 * (square_of_sum - sum_of_square)      # [B, K]
    # DNN
    h = jax.nn.relu(bi_interaction @ W1 + b1)
    h = jax.nn.relu(h @ W2 + b2)
    out = h @ W3 + b3                                            # [B, 1]
    return out

if __name__ == "__main__":
    import jax
    _d = setup_inputs()
    print(jax.jit(kernel)(*tuple(_d.values())))

</pallas_src>

<mosaic_0001>
#map = affine_map<(d0, d1) -> (0, 0)>
module attributes {stable_mosaic.version = 14 : i64} {
  func.func @_sc_hist_body(%arg0: i32, %arg1: i32, %arg2: memref<1024x1000xi32, #tpu.memory_space<hbm>>, %arg3: memref<1024x1008xf32, #tpu.memory_space<hbm>>, %arg4: memref<32x1000xi32, #tpu.memory_space<vmem>>, %arg5: memref<32x1008xf32, #tpu.memory_space<vmem>>, %arg6: memref<!tpu.dma_semaphore, #tpu.memory_space<semaphore_mem>>, %arg7: memref<!tpu.dma_semaphore, #tpu.memory_space<semaphore_mem>>, %arg8: memref<!tpu.dma_semaphore, #tpu.memory_space<semaphore_mem>>) attributes {dimension_semantics = [#tpu.dimension_semantics<core_parallel>, #tpu.dimension_semantics<subcore_parallel>], iteration_bounds = array<i64: 2, 16>, scalar_prefetch = 0 : i64, scratch_operands = 5 : i64, tpu.core_type = #tpu.core_type<sc_vector_subcore>, window_params = [{transform_indices = #map}, {transform_indices = #map}]} {
    %mul3A = arith.constant 2 : i32
    %mul3A_0 = arith.muli %arg1, %mul3A : i32
    %add3A = arith.addi %mul3A_0, %arg0 : i32
    %mul3A_1 = arith.constant 32 : i32
    %mul3A_2 = arith.muli %add3A, %mul3A_1 : i32
    %dma_start3A = arith.constant 0 : i32
    %dma_start3A_3 = arith.constant 0 : i32
    %dma_start3A_4 = tpu.memref_slice %arg4[%dma_start3A, %dma_start3A_3] : memref<32x1000xi32, #tpu.memory_space<vmem>> -> memref<16x1000xi32, #tpu.memory_space<vmem>>
    %dma_start3A_5 = arith.constant 0 : i32
    %dma_start3A_6 = tpu.memref_slice %arg2[%mul3A_2, %dma_start3A_5] : memref<1024x1000xi32, #tpu.memory_space<hbm>> -> memref<16x1000xi32, #tpu.memory_space<hbm>>
    %dma_start3A_7 = arith.constant 0 : i32
    %dma_start3A_8 = arith.constant 0 : i32
    %dma_start3A_9 = tpu.memref_slice %arg4[%dma_start3A_7, %dma_start3A_8] : memref<32x1000xi32, #tpu.memory_space<vmem>> -> memref<16x1000xi32, #tpu.memory_space<vmem>>
    %dma_start3A_10 = arith.constant 0 : i32
    %dma_start3A_11 = tpu.memref_slice %arg2[%mul3A_2, %dma_start3A_10] : memref<1024x1000xi32, #tpu.memory_space<hbm>> -> memref<16x1000xi32, #tpu.memory_space<hbm>>
    tpu.enqueue_dma source(%dma_start3A_11 : memref<16x1000xi32, #tpu.memory_space<hbm>>) target(%dma_start3A_9 : memref<16x1000xi32, #tpu.memory_space<vmem>>) target_semaphore(%arg6 : memref<!tpu.dma_semaphore, #tpu.memory_space<semaphore_mem>>)
    %add3A_12 = arith.constant 16 : i32
    %add3A_13 = arith.addi %mul3A_2, %add3A_12 : i32
    %dma_start3A_14 = arith.constant 16 : i32
    %dma_start3A_15 = arith.constant 0 : i32
    %dma_start3A_16 = tpu.memref_slice %arg4[%dma_start3A_14, %dma_start3A_15] : memref<32x1000xi32, #tpu.memory_space<vmem>> -> memref<16x1000xi32, #tpu.memory_space<vmem>>
    %dma_start3A_17 = arith.constant 0 : i32
    %dma_start3A_18 = tpu.memref_slice %arg2[%add3A_13, %dma_start3A_17] : memref<1024x1000xi32, #tpu.memory_space<hbm>> -> memref<16x1000xi32, #tpu.memory_space<hbm>>
    %dma_start3A_19 = arith.constant 16 : i32
    %dma_start3A_20 = arith.constant 0 : i32
    %dma_start3A_21 = tpu.memref_slice %arg4[%dma_start3A_19, %dma_start3A_20] : memref<32x1000xi32, #tpu.memory_space<vmem>> -> memref<16x1000xi32, #tpu.memory_space<vmem>>
    %dma_start3A_22 = arith.constant 0 : i32
    %dma_start3A_23 = tpu.memref_slice %arg2[%add3A_13, %dma_start3A_22] : memref<1024x1000xi32, #tpu.memory_space<hbm>> -> memref<16x1000xi32, #tpu.memory_space<hbm>>
    tpu.enqueue_dma source(%dma_start3A_23 : memref<16x1000xi32, #tpu.memory_space<hbm>>) target(%dma_start3A_21 : memref<16x1000xi32, #tpu.memory_space<vmem>>) target_semaphore(%arg7 : memref<!tpu.dma_semaphore, #tpu.memory_space<semaphore_mem>>)
    %broadcast_in_dim3A = arith.constant 0.000000e+00 : f32
    %broadcast_in_dim3A_24 = vector.broadcast %broadcast_in_dim3A : f32 to vector<16xf32>
    %parallel_loop3A = arith.constant 0 : i32
    %parallel_loop3A_25 = arith.constant 32 : i32
    %parallel_loop3A_26 = arith.constant 1 : i32
    scf.for %parallel_loop3A_79 = %parallel_loop3A to %parallel_loop3A_25 step %parallel_loop3A_26  : i32 {
      %parallel_loop3A_80 = arith.index_cast %parallel_loop3A_79 : i32 to index
      %parallel_loop3A_81 = arith.constant 0 : index
      %parallel_loop3A_82 = tpu.vector_load %arg5[%parallel_loop3A_80, %parallel_loop3A_81] {strides = array<i32>} : memref<32x1008xf32, #tpu.memory_space<vmem>>, vector<16xf32>,
      tpu.vector_store %arg5[%parallel_loop3A_80, %parallel_loop3A_81], %broadcast_in_dim3A_24 {strides = array<i32>} : memref<32x1008xf32, #tpu.memory_space<vmem>>, vector<16xf32>,
      %parallel_loop3A_83 = arith.index_cast %parallel_loop3A_79 : i32 to index
      %parallel_loop3A_84 = arith.constant 16 : index
      %parallel_loop3A_85 = tpu.vector_load %arg5[%parallel_loop3A_83, %parallel_loop3A_84] {strides = array<i32>} : memref<32x1008xf32, #tpu.memory_space<vmem>>, vector<16xf32>,
      tpu.vector_store %arg5[%parallel_loop3A_83, %parallel_loop3A_84], %broadcast_in_dim3A_24 {strides = array<i32>} : memref<32x1008xf32, #tpu.memory_space<vmem>>, vector<16xf32>,
      %parallel_loop3A_86 = arith.index_cast %parallel_loop3A_79 : i32 to index
      %parallel_loop3A_87 = arith.constant 32 : index
      %parallel_loop3A_88 = tpu.vector_load %arg5[%parallel_loop3A_86, %parallel_loop3A_87] {strides = array<i32>} : memref<32x1008xf32, #tpu.memory_space<vmem>>, vector<16xf32>,
      tpu.vector_store %arg5[%parallel_loop3A_86, %parallel_loop3A_87], %broadcast_in_dim3A_24 {strides = array<i32>} : memref<32x1008xf32, #tpu.memory_space<vmem>>, vector<16xf32>,
      %parallel_loop3A_89 = arith.index_cast %parallel_loop3A_79 : i32 to index
      %parallel_loop3A_90 = arith.constant 48 : index
      %parallel_loop3A_91 = tpu.vector_load %arg5[%parallel_loop3A_89, %parallel_loop3A_90] {strides = array<i32>} : memref<32x1008xf32, #tpu.memory_space<vmem>>, vector<16xf32>,
      tpu.vector_store %arg5[%parallel_loop3A_89, %parallel_loop3A_90], %broadcast_in_dim3A_24 {strides = array<i32>} : memref<32x1008xf32, #tpu.memory_space<vmem>>, vector<16xf32>,
      %parallel_loop3A_92 = arith.index_cast %parallel_loop3A_79 : i32 to index
      %parallel_loop3A_93 = arith.constant 64 : index
      %parallel_loop3A_94 = tpu.vector_load %arg5[%parallel_loop3A_92, %parallel_loop3A_93] {strides = array<i32>} : memref<32x1008xf32, #tpu.memory_space<vmem>>, vector<16xf32>,
      tpu.vector_store %arg5[%parallel_loop3A_92, %parallel_loop3A_93], %broadcast_in_dim3A_24 {strides = array<i32>} : memref<32x1008xf32, #tpu.memory_space<vmem>>, vector<16xf32>,
      %parallel_loop3A_95 = arith.index_cast %parallel_loop3A_79 : i32 to index
      %parallel_loop3A_96 = arith.constant 80 : index
      %parallel_loop3A_97 = tpu.vector_load %arg5[%parallel_loop3A_95, %parallel_loop3A_96] {strides = array<i32>} : memref<32x1008xf32, #tpu.memory_space<vmem>>, vector<16xf32>,
      tpu.vector_store %arg5[%parallel_loop3A_95, %parallel_loop3A_96], %broadcast_in_dim3A_24 {strides = array<i32>} : memref<32x1008xf32, #tpu.memory_space<vmem>>, vector<16xf32>,
      %parallel_loop3A_98 = arith.index_cast %parallel_loop3A_79 : i32 to index
      %parallel_loop3A_99 = arith.constant 96 : index
      %parallel_loop3A_100 = tpu.vector_load %arg5[%parallel_loop3A_98, %parallel_loop3A_99] {strides = array<i32>} : memref<32x1008xf32, #tpu.memory_space<vmem>>, vector<16xf32>,
      tpu.vector_store %arg5[%parallel_loop3A_98, %parallel_loop3A_99], %broadcast_in_dim3A_24 {strides = array<i32>} : memref<32x1008xf32, #tpu.memory_space<vmem>>, vector<16xf32>,
      %parallel_loop3A_101 = arith.index_cast %parallel_loop3A_79 : i32 to index
      %parallel_loop3A_102 = arith.constant 112 : index
      %parallel_loop3A_103 = tpu.vector_load %arg5[%parallel_loop3A_101, %parallel_loop3A_102] {strides = array<i32>} : memref<32x1008xf32, #tpu.memory_space<vmem>>, vector<16xf32>,
      tpu.vector_store %arg5[%parallel_loop3A_101, %parallel_loop3A_102], %broadcast_in_dim3A_24 {strides = array<i32>} : memref<32x1008xf32, #tpu.memory_space<vmem>>, vector<16xf32>,
      %parallel_loop3A_104 = arith.index_cast %parallel_loop3A_79 : i32 to index
      %parallel_loop3A_105 = arith.constant 128 : index
      %parallel_loop3A_106 = tpu.vector_load %arg5[%parallel_loop3A_104, %parallel_loop3A_105] {strides = array<i32>} : memref<32x1008xf32, #tpu.memory_space<vmem>>, vector<16xf32>,
      tpu.vector_store %arg5[%parallel_loop3A_104, %parallel_loop3A_105], %broadcast_in_dim3A_24 {strides = array<i32>} : memref<32x1008xf32, #tpu.memory_space<vmem>>, vector<16xf32>,
      %parallel_loop3A_107 = arith.index_cast %parallel_loop3A_79 : i32 to index
      %parallel_loop3A_108 = arith.constant 144 : index
      %parallel_loop3A_109 = tpu.vector_load %arg5[%parallel_loop3A_107, %parallel_loop3A_108] {strides = array<i32>} : memref<32x1008xf32, #tpu.memory_space<vmem>>, vector<16xf32>,
      tpu.vector_store %arg5[%parallel_loop3A_107, %parallel_loop3A_108], %broadcast_in_dim3A_24 {strides = array<i32>} : memref<32x1008xf32, #tpu.memory_space<vmem>>, vector<16xf32>,
      %parallel_loop3A_110 = arith.index_cast %parallel_loop3A_79 : i32 to index
      %parallel_loop3A_111 = arith.constant 160 : index
      %parallel_loop3A_112 = tpu.vector_load %arg5[%parallel_loop3A_110, %parallel_loop3A_111] {strides = array<i32>} : memref<32x1008xf32, #tpu.memory_space<vmem>>, vector<16xf32>,
      tpu.vector_store %arg5[%parallel_loop3A_110, %parallel_loop3A_111], %broadcast_in_dim3A_24 {strides = array<i32>} : memref<32x1008xf32, #tpu.memory_space<vmem>>, vector<16xf32>,
      %parallel_loop3A_113 = arith.index_cast %parallel_loop3A_79 : i32 to index
      %parallel_loop3A_114 = arith.constant 176 : index
      %parallel_loop3A_115 = tpu.vector_load %arg5[%parallel_loop3A_113, %parallel_loop3A_114] {strides = array<i32>} : memref<32x1008xf32, #tpu.memory_space<vmem>>, vector<16xf32>,
      tpu.vector_store %arg5[%parallel_loop3A_113, %parallel_loop3A_114], %broadcast_in_dim3A_24 {strides = array<i32>} : memref<32x1008xf32, #tpu.memory_space<vmem>>, vector<16xf32>,
      %parallel_loop3A_116 = arith.index_cast %parallel_loop3A_79 : i32 to index
      %parallel_loop3A_117 = arith.constant 192 : index
      %parallel_loop3A_118 = tpu.vector_load %arg5[%parallel_loop3A_116, %parallel_loop3A_117] {strides = array<i32>} : memref<32x1008xf32, #tpu.memory_space<vmem>>, vector<16xf32>,
      tpu.vector_store %arg5[%parallel_loop3A_116, %parallel_loop3A_117], %broadcast_in_dim3A_24 {strides = array<i32>} : memref<32x1008xf32, #tpu.memory_space<vmem>>, vector<16xf32>,
      %parallel_loop3A_119 = arith.index_cast %parallel_loop3A_79 : i32 to index
      %parallel_loop3A_120 = arith.constant 208 : index
      %parallel_loop3A_121 = tpu.vector_load %arg5[%parallel_loop3A_119, %parallel_loop3A_120] {strides = array<i32>} : memref<32x1008xf32, #tpu.memory_space<vmem>>, vector<16xf32>,
      tpu.vector_store %arg5[%parallel_loop3A_119, %parallel_loop3A_120], %broadcast_in_dim3A_24 {strides = array<i32>} : memref<32x1008xf32, #tpu.memory_space<vmem>>, vector<16xf32>,
      %parallel_loop3A_122 = arith.index_cast %parallel_loop3A_79 : i32 to index
      %parallel_loop3A_123 = arith.constant 224 : index
      %parallel_loop3A_124 = tpu.vector_load %arg5[%parallel_loop3A_122, %parallel_loop3A_123] {strides = array<i32>} : memref<32x1008xf32, #tpu.memory_space<vmem>>, vector<16xf32>,
      tpu.vector_store %arg5[%parallel_loop3A_122, %parallel_loop3A_123], %broadcast_in_dim3A_24 {strides = array<i32>} : memref<32x1008xf32, #tpu.memory_space<vmem>>, vector<16xf32>,
      %parallel_loop3A_125 = arith.index_cast %parallel_loop3A_79 : i32 to index
      %parallel_loop3A_126 = arith.constant 240 : index
      %parallel_loop3A_127 = tpu.vector_load %arg5[%parallel_loop3A_125, %parallel_loop3A_126] {strides = array<i32>} : memref<32x1008xf32, #tpu.memory_space<vmem>>, vector<16xf32>,
      tpu.vector_store %arg5[%parallel_loop3A_125, %parallel_loop3A_126], %broadcast_in_dim3A_24 {strides = array<i32>} : memref<32x1008xf32, #tpu.memory_space<vmem>>, vector<16xf32>,
      %parallel_loop3A_128 = arith.index_cast %parallel_loop3A_79 : i32 to index
      %parallel_loop3A_129 = arith.constant 256 : index
      %parallel_loop3A_130 = tpu.vector_load %arg5[%parallel_loop3A_128, %parallel_loop3A_129] {strides = array<i32>} : memref<32x1008xf32, #tpu.memory_space<vmem>>, vector<16xf32>,
      tpu.vector_store %arg5[%parallel_loop3A_128, %parallel_loop3A_129], %broadcast_in_dim3A_24 {strides = array<i32>} : memref<32x1008xf32, #tpu.memory_space<vmem>>, vector<16xf32>,
      %parallel_loop3A_131 = arith.index_cast %parallel_loop3A_79 : i32 to index
      %parallel_loop3A_132 = arith.constant 272 : index
      %parallel_loop3A_133 = tpu.vector_load %arg5[%parallel_loop3A_131, %parallel_loop3A_132] {strides = array<i32>} : memref<32x1008xf32, #tpu.memory_space<vmem>>, vector<16xf32>,
      tpu.vector_store %arg5[%parallel_loop3A_131, %parallel_loop3A_132], %broadcast_in_dim3A_24 {strides = array<i32>} : memref<32x1008xf32, #tpu.memory_space<vmem>>, vector<16xf32>,
      %parallel_loop3A_134 = arith.index_cast %parallel_loop3A_79 : i32 to index
      %parallel_loop3A_135 = arith.constant 288 : index
      %parallel_loop3A_136 = tpu.vector_load %arg5[%parallel_loop3A_134, %parallel_loop3A_135] {strides = array<i32>} : memref<32x1008xf32, #tpu.memory_space<vmem>>, vector<16xf32>,
      tpu.vector_store %arg5[%parallel_loop3A_134, %parallel_loop3A_135], %broadcast_in_dim3A_24 {strides = array<i32>} : memref<32x1008xf32, #tpu.memory_space<vmem>>, vector<16xf32>,
      %parallel_loop3A_137 = arith.index_cast %parallel_loop3A_79 : i32 to index
      %parallel_loop3A_138 = arith.constant 304 : index
      %parallel_loop3A_139 = tpu.vector_load %arg5[%parallel_loop3A_137, %parallel_loop3A_138] {strides = array<i32>} : memref<32x1008xf32, #tpu.memory_space<vmem>>, vector<16xf32>,
      tpu.vector_store %arg5[%parallel_loop3A_137, %parallel_loop3A_138], %broadcast_in_dim3A_24 {strides = array<i32>} : memref<32x1008xf32, #tpu.memory_space<vmem>>, vector<16xf32>,
      %parallel_loop3A_140 = arith.index_cast %parallel_loop3A_79 : i32 to index
      %parallel_loop3A_141 = arith.constant 320 : index
      %parallel_loop3A_142 = tpu.vector_load %arg5[%parallel_loop3A_140, %parallel_loop3A_141] {strides = array<i32>} : memref<32x1008xf32, #tpu.memory_space<vmem>>, vector<16xf32>,
      tpu.vector_store %arg5[%parallel_loop3A_140, %parallel_loop3A_141], %broadcast_in_dim3A_24 {strides = array<i32>} : memref<32x1008xf32, #tpu.memory_space<vmem>>, vector<16xf32>,
      %parallel_loop3A_143 = arith.index_cast %parallel_loop3A_79 : i32 to index
      %parallel_loop3A_144 = arith.constant 336 : index
      %parallel_loop3A_145 = tpu.vector_load %arg5[%parallel_loop3A_143, %parallel_loop3A_144] {strides = array<i32>} : memref<32x1008xf32, #tpu.memory_space<vmem>>, vector<16xf32>,
      tpu.vector_store %arg5[%parallel_loop3A_143, %parallel_loop3A_144], %broadcast_in_dim3A_24 {strides = array<i32>} : memref<32x1008xf32, #tpu.memory_space<vmem>>, vector<16xf32>,
      %parallel_loop3A_146 = arith.index_cast %parallel_loop3A_79 : i32 to index
      %parallel_loop3A_147 = arith.constant 352 : index
      %parallel_loop3A_148 = tpu.vector_load %arg5[%parallel_loop3A_146, %parallel_loop3A_147] {strides = array<i32>} : memref<32x1008xf32, #tpu.memory_space<vmem>>, vector<16xf32>,
      tpu.vector_store %arg5[%parallel_loop3A_146, %parallel_loop3A_147], %broadcast_in_dim3A_24 {strides = array<i32>} : memref<32x1008xf32, #tpu.memory_space<vmem>>, vector<16xf32>,
      %parallel_loop3A_149 = arith.index_cast %parallel_loop3A_79 : i32 to index
      %parallel_loop3A_150 = arith.constant 368 : index
      %parallel_loop3A_151 = tpu.vector_load %arg5[%parallel_loop3A_149, %parallel_loop3A_150] {strides = array<i32>} : memref<32x1008xf32, #tpu.memory_space<vmem>>, vector<16xf32>,
      tpu.vector_store %arg5[%parallel_loop3A_149, %parallel_loop3A_150], %broadcast_in_dim3A_24 {strides = array<i32>} : memref<32x1008xf32, #tpu.memory_space<vmem>>, vector<16xf32>,
      %parallel_loop3A_152 = arith.index_cast %parallel_loop3A_79 : i32 to index
      %parallel_loop3A_153 = arith.constant 384 : index
      %parallel_loop3A_154 = tpu.vector_load %arg5[%parallel_loop3A_152, %parallel_loop3A_153] {strides = array<i32>} : memref<32x1008xf32, #tpu.memory_space<vmem>>, vector<16xf32>,
      tpu.vector_store %arg5[%parallel_loop3A_152, %parallel_loop3A_153], %broadcast_in_dim3A_24 {strides = array<i32>} : memref<32x1008xf32, #tpu.memory_space<vmem>>, vector<16xf32>,
      %parallel_loop3A_155 = arith.index_cast %parallel_loop3A_79 : i32 to index
      %parallel_loop3A_156 = arith.constant 400 : index
      %parallel_loop3A_157 = tpu.vector_load %arg5[%parallel_loop3A_155, %parallel_loop3A_156] {strides = array<i32>} : memref<32x1008xf32, #tpu.memory_space<vmem>>, vector<16xf32>,
      tpu.vector_store %arg5[%parallel_loop3A_155, %parallel_loop3A_156], %broadcast_in_dim3A_24 {strides = array<i32>} : memref<32x1008xf32, #tpu.memory_space<vmem>>, vector<16xf32>,
      %parallel_loop3A_158 = arith.index_cast %parallel_loop3A_79 : i32 to index
      %parallel_loop3A_159 = arith.constant 416 : index
      %parallel_loop3A_160 = tpu.vector_load %arg5[%parallel_loop3A_158, %parallel_loop3A_159] {strides = array<i32>} : memref<32x1008xf32, #tpu.memory_space<vmem>>, vector<16xf32>,
      tpu.vector_store %arg5[%parallel_loop3A_158, %parallel_loop3A_159], %broadcast_in_dim3A_24 {strides = array<i32>} : memref<32x1008xf32, #tpu.memory_space<vmem>>, vector<16xf32>,
      %parallel_loop3A_161 = arith.index_cast %parallel_loop3A_79 : i32 to index
      %parallel_loop3A_162 = arith.constant 432 : index
      %parallel_loop3A_163 = tpu.vector_load %arg5[%parallel_loop3A_161, %parallel_loop3A_162] {strides = array<i32>} : memref<32x1008xf32, #tpu.memory_space<vmem>>, vector<16xf32>,
      tpu.vector_store %arg5[%parallel_loop3A_161, %parallel_loop3A_162], %broadcast_in_dim3A_24 {strides = array<i32>} : memref<32x1008xf32, #tpu.memory_space<vmem>>, vector<16xf32>,
      %parallel_loop3A_164 = arith.index_cast %parallel_loop3A_79 : i32 to index
      %parallel_loop3A_165 = arith.constant 448 : index
      %parallel_loop3A_166 = tpu.vector_load %arg5[%parallel_loop3A_164, %parallel_loop3A_165] {strides = array<i32>} : memref<32x1008xf32, #tpu.memory_space<vmem>>, vector<16xf32>,
      tpu.vector_store %arg5[%parallel_loop3A_164, %parallel_loop3A_165], %broadcast_in_dim3A_24 {strides = array<i32>} : memref<32x1008xf32, #tpu.memory_space<vmem>>, vector<16xf32>,
      %parallel_loop3A_167 = arith.index_cast %parallel_loop3A_79 : i32 to index
      %parallel_loop3A_168 = arith.constant 464 : index
      %parallel_loop3A_169 = tpu.vector_load %arg5[%parallel_loop3A_167, %parallel_loop3A_168] {strides = array<i32>} : memref<32x1008xf32, #tpu.memory_space<vmem>>, vector<16xf32>,
      tpu.vector_store %arg5[%parallel_loop3A_167, %parallel_loop3A_168], %broadcast_in_dim3A_24 {strides = array<i32>} : memref<32x1008xf32, #tpu.memory_space<vmem>>, vector<16xf32>,
      %parallel_loop3A_170 = arith.index_cast %parallel_loop3A_79 : i32 to index
      %parallel_loop3A_171 = arith.constant 480 : index
      %parallel_loop3A_172 = tpu.vector_load %arg5[%parallel_loop3A_170, %parallel_loop3A_171] {strides = array<i32>} : memref<32x1008xf32, #tpu.memory_space<vmem>>, vector<16xf32>,
      tpu.vector_store %arg5[%parallel_loop3A_170, %parallel_loop3A_171], %broadcast_in_dim3A_24 {strides = array<i32>} : memref<32x1008xf32, #tpu.memory_space<vmem>>, vector<16xf32>,
      %parallel_loop3A_173 = arith.index_cast %parallel_loop3A_79 : i32 to index
      %parallel_loop3A_174 = arith.constant 496 : index
      %parallel_loop3A_175 = tpu.vector_load %arg5[%parallel_loop3A_173, %parallel_loop3A_174] {strides = array<i32>} : memref<32x1008xf32, #tpu.memory_space<vmem>>, vector<16xf32>,
      tpu.vector_store %arg5[%parallel_loop3A_173, %parallel_loop3A_174], %broadcast_in_dim3A_24 {strides = array<i32>} : memref<32x1008xf32, #tpu.memory_space<vmem>>, vector<16xf32>,
      %parallel_loop3A_176 = arith.index_cast %parallel_loop3A_79 : i32 to index
      %parallel_loop3A_177 = arith.constant 512 : index
      %parallel_loop3A_178 = tpu.vector_load %arg5[%parallel_loop3A_176, %parallel_loop3A_177] {strides = array<i32>} : memref<32x1008xf32, #tpu.memory_space<vmem>>, vector<16xf32>,
      tpu.vector_store %arg5[%parallel_loop3A_176, %parallel_loop3A_177], %broadcast_in_dim3A_24 {strides = array<i32>} : memref<32x1008xf32, #tpu.memory_space<vmem>>, vector<16xf32>,
      %parallel_loop3A_179 = arith.index_cast %parallel_loop3A_79 : i32 to index
      %parallel_loop3A_180 = arith.constant 528 : index
      %parallel_loop3A_181 = tpu.vector_load %arg5[%parallel_loop3A_179, %parallel_loop3A_180] {strides = array<i32>} : memref<32x1008xf32, #tpu.memory_space<vmem>>, vector<16xf32>,
      tpu.vector_store %arg5[%parallel_loop3A_179, %parallel_loop3A_180], %broadcast_in_dim3A_24 {strides = array<i32>} : memref<32x1008xf32, #tpu.memory_space<vmem>>, vector<16xf32>,
      %parallel_loop3A_182 = arith.index_cast %parallel_loop3A_79 : i32 to index
      %parallel_loop3A_183 = arith.constant 544 : index
      %parallel_loop3A_184 = tpu.vector_load %arg5[%parallel_loop3A_182, %parallel_loop3A_183] {strides = array<i32>} : memref<32x1008xf32, #tpu.memory_space<vmem>>, vector<16xf32>,
      tpu.vector_store %arg5[%parallel_loop3A_182, %parallel_loop3A_183], %broadcast_in_dim3A_24 {strides = array<i32>} : memref<32x1008xf32, #tpu.memory_space<vmem>>, vector<16xf32>,
      %parallel_loop3A_185 = arith.index_cast %parallel_loop3A_79 : i32 to index
      %parallel_loop3A_186 = arith.constant 560 : index
      %parallel_loop3A_187 = tpu.vector_load %arg5[%parallel_loop3A_185, %parallel_loop3A_186] {strides = array<i32>} : memref<32x1008xf32, #tpu.memory_space<vmem>>, vector<16xf32>,
      tpu.vector_store %arg5[%parallel_loop3A_185, %parallel_loop3A_186], %broadcast_in_dim3A_24 {strides = array<i32>} : memref<32x1008xf32, #tpu.memory_space<vmem>>, vector<16xf32>,
      %parallel_loop3A_188 = arith.index_cast %parallel_loop3A_79 : i32 to index
      %parallel_loop3A_189 = arith.constant 576 : index
      %parallel_loop3A_190 = tpu.vector_load %arg5[%parallel_loop3A_188, %parallel_loop3A_189] {strides = array<i32>} : memref<32x1008xf32, #tpu.memory_space<vmem>>, vector<16xf32>,
      tpu.vector_store %arg5[%parallel_loop3A_188, %parallel_loop3A_189], %broadcast_in_dim3A_24 {strides = array<i32>} : memref<32x1008xf32, #tpu.memory_space<vmem>>, vector<16xf32>,
      %parallel_loop3A_191 = arith.index_cast %parallel_loop3A_79 : i32 to index
      %parallel_loop3A_192 = arith.constant 592 : index
      %parallel_loop3A_193 = tpu.vector_load %arg5[%parallel_loop3A_191, %parallel_loop3A_192] {strides = array<i32>} : memref<32x1008xf32, #tpu.memory_space<vmem>>, vector<16xf32>,
      tpu.vector_store %arg5[%parallel_loop3A_191, %parallel_loop3A_192], %broadcast_in_dim3A_24 {strides = array<i32>} : memref<32x1008xf32, #tpu.memory_space<vmem>>, vector<16xf32>,
      %parallel_loop3A_194 = arith.index_cast %parallel_loop3A_79 : i32 to index
      %parallel_loop3A_195 = arith.constant 608 : index
      %parallel_loop3A_196 = tpu.vector_load %arg5[%parallel_loop3A_194, %parallel_loop3A_195] {strides = array<i32>} : memref<32x1008xf32, #tpu.memory_space<vmem>>, vector<16xf32>,
      tpu.vector_store %arg5[%parallel_loop3A_194, %parallel_loop3A_195], %broadcast_in_dim3A_24 {strides = array<i32>} : memref<32x1008xf32, #tpu.memory_space<vmem>>, vector<16xf32>,
      %parallel_loop3A_197 = arith.index_cast %parallel_loop3A_79 : i32 to index
      %parallel_loop3A_198 = arith.constant 624 : index
      %parallel_loop3A_199 = tpu.vector_load %arg5[%parallel_loop3A_197, %parallel_loop3A_198] {strides = array<i32>} : memref<32x1008xf32, #tpu.memory_space<vmem>>, vector<16xf32>,
      tpu.vector_store %arg5[%parallel_loop3A_197, %parallel_loop3A_198], %broadcast_in_dim3A_24 {strides = array<i32>} : memref<32x1008xf32, #tpu.memory_space<vmem>>, vector<16xf32>,
      %parallel_loop3A_200 = arith.index_cast %parallel_loop3A_79 : i32 to index
      %parallel_loop3A_201 = arith.constant 640 : index
      %parallel_loop3A_202 = tpu.vector_load %arg5[%parallel_loop3A_200, %parallel_loop3A_201] {strides = array<i32>} : memref<32x1008xf32, #tpu.memory_space<vmem>>, vector<16xf32>,
      tpu.vector_store %arg5[%parallel_loop3A_200, %parallel_loop3A_201], %broadcast_in_dim3A_24 {strides = array<i32>} : memref<32x1008xf32, #tpu.memory_space<vmem>>, vector<16xf32>,
      %parallel_loop3A_203 = arith.index_cast %parallel_loop3A_79 : i32 to index
      %parallel_loop3A_204 = arith.constant 656 : index
      %parallel_loop3A_205 = tpu.vector_load %arg5[%parallel_loop3A_203, %parallel_loop3A_204] {strides = array<i32>} : memref<32x1008xf32, #tpu.memory_space<vmem>>, vector<16xf32>,
      tpu.vector_store %arg5[%parallel_loop3A_203, %parallel_loop3A_204], %broadcast_in_dim3A_24 {strides = array<i32>} : memref<32x1008xf32, #tpu.memory_space<vmem>>, vector<16xf32>,
      %parallel_loop3A_206 = arith.index_cast %parallel_loop3A_79 : i32 to index
      %parallel_loop3A_207 = arith.constant 672 : index
      %parallel_loop3A_208 = tpu.vector_load %arg5[%parallel_loop3A_206, %parallel_loop3A_207] {strides = array<i32>} : memref<32x1008xf32, #tpu.memory_space<vmem>>, vector<16xf32>,
      tpu.vector_store %arg5[%parallel_loop3A_206, %parallel_loop3A_207], %broadcast_in_dim3A_24 {strides = array<i32>} : memref<32x1008xf32, #tpu.memory_space<vmem>>, vector<16xf32>,
      %parallel_loop3A_209 = arith.index_cast %parallel_loop3A_79 : i32 to index
      %parallel_loop3A_210 = arith.constant 688 : index
      %parallel_loop3A_211 = tpu.vector_load %arg5[%parallel_loop3A_209, %parallel_loop3A_210] {strides = array<i32>} : memref<32x1008xf32, #tpu.memory_space<vmem>>, vector<16xf32>,
      tpu.vector_store %arg5[%parallel_loop3A_209, %parallel_loop3A_210], %broadcast_in_dim3A_24 {strides = array<i32>} : memref<32x1008xf32, #tpu.memory_space<vmem>>, vector<16xf32>,
      %parallel_loop3A_212 = arith.index_cast %parallel_loop3A_79 : i32 to index
      %parallel_loop3A_213 = arith.constant 704 : index
      %parallel_loop3A_214 = tpu.vector_load %arg5[%parallel_loop3A_212, %parallel_loop3A_213] {strides = array<i32>} : memref<32x1008xf32, #tpu.memory_space<vmem>>, vector<16xf32>,
      tpu.vector_store %arg5[%parallel_loop3A_212, %parallel_loop3A_213], %broadcast_in_dim3A_24 {strides = array<i32>} : memref<32x1008xf32, #tpu.memory_space<vmem>>, vector<16xf32>,
      %parallel_loop3A_215 = arith.index_cast %parallel_loop3A_79 : i32 to index
      %parallel_loop3A_216 = arith.constant 720 : index
      %parallel_loop3A_217 = tpu.vector_load %arg5[%parallel_loop3A_215, %parallel_loop3A_216] {strides = array<i32>} : memref<32x1008xf32, #tpu.memory_space<vmem>>, vector<16xf32>,
      tpu.vector_store %arg5[%parallel_loop3A_215, %parallel_loop3A_216], %broadcast_in_dim3A_24 {strides = array<i32>} : memref<32x1008xf32, #tpu.memory_space<vmem>>, vector<16xf32>,
      %parallel_loop3A_218 = arith.index_cast %parallel_loop3A_79 : i32 to index
      %parallel_loop3A_219 = arith.constant 736 : index
      %parallel_loop3A_220 = tpu.vector_load %arg5[%parallel_loop3A_218, %parallel_loop3A_219] {strides = array<i32>} : memref<32x1008xf32, #tpu.memory_space<vmem>>, vector<16xf32>,
      tpu.vector_store %arg5[%parallel_loop3A_218, %parallel_loop3A_219], %broadcast_in_dim3A_24 {strides = array<i32>} : memref<32x1008xf32, #tpu.memory_space<vmem>>, vector<16xf32>,
      %parallel_loop3A_221 = arith.index_cast %parallel_loop3A_79 : i32 to index
      %parallel_loop3A_222 = arith.constant 752 : index
      %parallel_loop3A_223 = tpu.vector_load %arg5[%parallel_loop3A_221, %parallel_loop3A_222] {strides = array<i32>} : memref<32x1008xf32, #tpu.memory_space<vmem>>, vector<16xf32>,
      tpu.vector_store %arg5[%parallel_loop3A_221, %parallel_loop3A_222], %broadcast_in_dim3A_24 {strides = array<i32>} : memref<32x1008xf32, #tpu.memory_space<vmem>>, vector<16xf32>,
      %parallel_loop3A_224 = arith.index_cast %parallel_loop3A_79 : i32 to index
      %parallel_loop3A_225 = arith.constant 768 : index
      %parallel_loop3A_226 = tpu.vector_load %arg5[%parallel_loop3A_224, %parallel_loop3A_225] {strides = array<i32>} : memref<32x1008xf32, #tpu.memory_space<vmem>>, vector<16xf32>,
      tpu.vector_store %arg5[%parallel_loop3A_224, %parallel_loop3A_225], %broadcast_in_dim3A_24 {strides = array<i32>} : memref<32x1008xf32, #tpu.memory_space<vmem>>, vector<16xf32>,
      %parallel_loop3A_227 = arith.index_cast %parallel_loop3A_79 : i32 to index
      %parallel_loop3A_228 = arith.constant 784 : index
      %parallel_loop3A_229 = tpu.vector_load %arg5[%parallel_loop3A_227, %parallel_loop3A_228] {strides = array<i32>} : memref<32x1008xf32, #tpu.memory_space<vmem>>, vector<16xf32>,
      tpu.vector_store %arg5[%parallel_loop3A_227, %parallel_loop3A_228], %broadcast_in_dim3A_24 {strides = array<i32>} : memref<32x1008xf32, #tpu.memory_space<vmem>>, vector<16xf32>,
      %parallel_loop3A_230 = arith.index_cast %parallel_loop3A_79 : i32 to index
      %parallel_loop3A_231 = arith.constant 800 : index
      %parallel_loop3A_232 = tpu.vector_load %arg5[%parallel_loop3A_230, %parallel_loop3A_231] {strides = array<i32>} : memref<32x1008xf32, #tpu.memory_space<vmem>>, vector<16xf32>,
      tpu.vector_store %arg5[%parallel_loop3A_230, %parallel_loop3A_231], %broadcast_in_dim3A_24 {strides = array<i32>} : memref<32x1008xf32, #tpu.memory_space<vmem>>, vector<16xf32>,
      %parallel_loop3A_233 = arith.index_cast %parallel_loop3A_79 : i32 to index
      %parallel_loop3A_234 = arith.constant 816 : index
      %parallel_loop3A_235 = tpu.vector_load %arg5[%parallel_loop3A_233, %parallel_loop3A_234] {strides = array<i32>} : memref<32x1008xf32, #tpu.memory_space<vmem>>, vector<16xf32>,
      tpu.vector_store %arg5[%parallel_loop3A_233, %parallel_loop3A_234], %broadcast_in_dim3A_24 {strides = array<i32>} : memref<32x1008xf32, #tpu.memory_space<vmem>>, vector<16xf32>,
      %parallel_loop3A_236 = arith.index_cast %parallel_loop3A_79 : i32 to index
      %parallel_loop3A_237 = arith.constant 832 : index
      %parallel_loop3A_238 = tpu.vector_load %arg5[%parallel_loop3A_236, %parallel_loop3A_237] {strides = array<i32>} : memref<32x1008xf32, #tpu.memory_space<vmem>>, vector<16xf32>,
      tpu.vector_store %arg5[%parallel_loop3A_236, %parallel_loop3A_237], %broadcast_in_dim3A_24 {strides = array<i32>} : memref<32x1008xf32, #tpu.memory_space<vmem>>, vector<16xf32>,
      %parallel_loop3A_239 = arith.index_cast %parallel_loop3A_79 : i32 to index
      %parallel_loop3A_240 = arith.constant 848 : index
      %parallel_loop3A_241 = tpu.vector_load %arg5[%parallel_loop3A_239, %parallel_loop3A_240] {strides = array<i32>} : memref<32x1008xf32, #tpu.memory_space<vmem>>, vector<16xf32>,
      tpu.vector_store %arg5[%parallel_loop3A_239, %parallel_loop3A_240], %broadcast_in_dim3A_24 {strides = array<i32>} : memref<32x1008xf32, #tpu.memory_space<vmem>>, vector<16xf32>,
      %parallel_loop3A_242 = arith.index_cast %parallel_loop3A_79 : i32 to index
      %parallel_loop3A_243 = arith.constant 864 : index
      %parallel_loop3A_244 = tpu.vector_load %arg5[%parallel_loop3A_242, %parallel_loop3A_243] {strides = array<i32>} : memref<32x1008xf32, #tpu.memory_space<vmem>>, vector<16xf32>,
      tpu.vector_store %arg5[%parallel_loop3A_242, %parallel_loop3A_243], %broadcast_in_dim3A_24 {strides = array<i32>} : memref<32x1008xf32, #tpu.memory_space<vmem>>, vector<16xf32>,
      %parallel_loop3A_245 = arith.index_cast %parallel_loop3A_79 : i32 to index
      %parallel_loop3A_246 = arith.constant 880 : index
      %parallel_loop3A_247 = tpu.vector_load %arg5[%parallel_loop3A_245, %parallel_loop3A_246] {strides = array<i32>} : memref<32x1008xf32, #tpu.memory_space<vmem>>, vector<16xf32>,
      tpu.vector_store %arg5[%parallel_loop3A_245, %parallel_loop3A_246], %broadcast_in_dim3A_24 {strides = array<i32>} : memref<32x1008xf32, #tpu.memory_space<vmem>>, vector<16xf32>,
      %parallel_loop3A_248 = arith.index_cast %parallel_loop3A_79 : i32 to index
      %parallel_loop3A_249 = arith.constant 896 : index
      %parallel_loop3A_250 = tpu.vector_load %arg5[%parallel_loop3A_248, %parallel_loop3A_249] {strides = array<i32>} : memref<32x1008xf32, #tpu.memory_space<vmem>>, vector<16xf32>,
      tpu.vector_store %arg5[%parallel_loop3A_248, %parallel_loop3A_249], %broadcast_in_dim3A_24 {strides = array<i32>} : memref<32x1008xf32, #tpu.memory_space<vmem>>, vector<16xf32>,
      %parallel_loop3A_251 = arith.index_cast %parallel_loop3A_79 : i32 to index
      %parallel_loop3A_252 = arith.constant 912 : index
      %parallel_loop3A_253 = tpu.vector_load %arg5[%parallel_loop3A_251, %parallel_loop3A_252] {strides = array<i32>} : memref<32x1008xf32, #tpu.memory_space<vmem>>, vector<16xf32>,
      tpu.vector_store %arg5[%parallel_loop3A_251, %parallel_loop3A_252], %broadcast_in_dim3A_24 {strides = array<i32>} : memref<32x1008xf32, #tpu.memory_space<vmem>>, vector<16xf32>,
      %parallel_loop3A_254 = arith.index_cast %parallel_loop3A_79 : i32 to index
      %parallel_loop3A_255 = arith.constant 928 : index
      %parallel_loop3A_256 = tpu.vector_load %arg5[%parallel_loop3A_254, %parallel_loop3A_255] {strides = array<i32>} : memref<32x1008xf32, #tpu.memory_space<vmem>>, vector<16xf32>,
      tpu.vector_store %arg5[%parallel_loop3A_254, %parallel_loop3A_255], %broadcast_in_dim3A_24 {strides = array<i32>} : memref<32x1008xf32, #tpu.memory_space<vmem>>, vector<16xf32>,
      %parallel_loop3A_257 = arith.index_cast %parallel_loop3A_79 : i32 to index
      %parallel_loop3A_258 = arith.constant 944 : index
      %parallel_loop3A_259 = tpu.vector_load %arg5[%parallel_loop3A_257, %parallel_loop3A_258] {strides = array<i32>} : memref<32x1008xf32, #tpu.memory_space<vmem>>, vector<16xf32>,
      tpu.vector_store %arg5[%parallel_loop3A_257, %parallel_loop3A_258], %broadcast_in_dim3A_24 {strides = array<i32>} : memref<32x1008xf32, #tpu.memory_space<vmem>>, vector<16xf32>,
      %parallel_loop3A_260 = arith.index_cast %parallel_loop3A_79 : i32 to index
      %parallel_loop3A_261 = arith.constant 960 : index
      %parallel_loop3A_262 = tpu.vector_load %arg5[%parallel_loop3A_260, %parallel_loop3A_261] {strides = array<i32>} : memref<32x1008xf32, #tpu.memory_space<vmem>>, vector<16xf32>,
      tpu.vector_store %arg5[%parallel_loop3A_260, %parallel_loop3A_261], %broadcast_in_dim3A_24 {strides = array<i32>} : memref<32x1008xf32, #tpu.memory_space<vmem>>, vector<16xf32>,
      %parallel_loop3A_263 = arith.index_cast %parallel_loop3A_79 : i32 to index
      %parallel_loop3A_264 = arith.constant 976 : index
      %parallel_loop3A_265 = tpu.vector_load %arg5[%parallel_loop3A_263, %parallel_loop3A_264] {strides = array<i32>} : memref<32x1008xf32, #tpu.memory_space<vmem>>, vector<16xf32>,
      tpu.vector_store %arg5[%parallel_loop3A_263, %parallel_loop3A_264], %broadcast_in_dim3A_24 {strides = array<i32>} : memref<32x1008xf32, #tpu.memory_space<vmem>>, vector<16xf32>,
      %parallel_loop3A_266 = arith.index_cast %parallel_loop3A_79 : i32 to index
      %parallel_loop3A_267 = arith.constant 992 : index
      %parallel_loop3A_268 = tpu.vector_load %arg5[%parallel_loop3A_266, %parallel_loop3A_267] {strides = array<i32>} : memref<32x1008xf32, #tpu.memory_space<vmem>>, vector<16xf32>,
      tpu.vector_store %arg5[%parallel_loop3A_266, %parallel_loop3A_267], %broadcast_in_dim3A_24 {strides = array<i32>} : memref<32x1008xf32, #tpu.memory_space<vmem>>, vector<16xf32>,
    } {sc.loop_unroll_factor = 2 : i64, sc.parallel_access}
    %broadcast_in_dim3A_27 = arith.constant 1.000000e+00 : f32
    %broadcast_in_dim3A_28 = vector.broadcast %broadcast_in_dim3A_27 : f32 to vector<16xf32>
    %iota3A = tpu.iota {dimensions = array<i32: 0>} : vector<16xi32>
    %dma_wait3A = arith.constant 0 : i32
    %dma_wait3A_29 = arith.constant 0 : i32
    %dma_wait3A_30 = tpu.memref_slice %arg4[%dma_wait3A, %dma_wait3A_29] : memref<32x1000xi32, #tpu.memory_space<vmem>> -> memref<16x1000xi32, #tpu.memory_space<vmem>>
    %dma_wait3A_31 = arith.constant 0 : i32
    %dma_wait3A_32 = tpu.memref_slice %arg2[%mul3A_2, %dma_wait3A_31] : memref<1024x1000xi32, #tpu.memory_space<hbm>> -> memref<16x1000xi32, #tpu.memory_space<hbm>>
    %dma_wait3A_33 = arith.constant 0 : i32
    %dma_wait3A_34 = arith.constant 0 : i32
    %dma_wait3A_35 = tpu.memref_slice %arg4[%dma_wait3A_33, %dma_wait3A_34] : memref<32x1000xi32, #tpu.memory_space<vmem>> -> memref<16x1000xi32, #tpu.memory_space<vmem>>
    %dma_wait3A_36 = arith.constant 0 : i32
    %dma_wait3A_37 = tpu.memref_slice %arg2[%mul3A_2, %dma_wait3A_36] : memref<1024x1000xi32, #tpu.memory_space<hbm>> -> memref<16x1000xi32, #tpu.memory_space<hbm>>
    tpu.wait_dma2 semaphore(%arg6 : memref<!tpu.dma_semaphore, #tpu.memory_space<semaphore_mem>>) src(%dma_wait3A_37 : memref<16x1000xi32, #tpu.memory_space<hbm>>) dst(%dma_wait3A_35 : memref<16x1000xi32, #tpu.memory_space<vmem>>)
    %parallel_loop3A_38 = arith.constant 0 : i32
    %parallel_loop3A_39 = arith.constant 1000 : i32
    %parallel_loop3A_40 = arith.constant 1 : i32
    scf.for %parallel_loop3A_79 = %parallel_loop3A_38 to %parallel_loop3A_39 step %parallel_loop3A_40  : i32 {
      %parallel_loop3A_80 = vector.broadcast %parallel_loop3A_79 : i32 to vector<16xi32>
      %parallel_loop3A_81 = tpu.vector_load_idx %arg4[%iota3A, %parallel_loop3A_80] : memref<32x1000xi32, #tpu.memory_space<vmem>>[vector<16xi32>, vector<16xi32>], vector<16xi32>,
      tpu.vector_store_idx %arg5[%iota3A, %parallel_loop3A_81], %broadcast_in_dim3A_28 {add = true} : memref<32x1008xf32, #tpu.memory_space<vmem>>[vector<16xi32>, vector<16xi32>], vector<16xf32>,
    } {sc.loop_unroll_factor = 8 : i64, sc.parallel_access}
    %dma_start3A_41 = arith.constant 0 : i32
    %dma_start3A_42 = arith.constant 0 : i32
    %dma_start3A_43 = tpu.memref_slice %arg5[%dma_start3A_41, %dma_start3A_42] : memref<32x1008xf32, #tpu.memory_space<vmem>> -> memref<16x1008xf32, #tpu.memory_space<vmem>>
    %dma_start3A_44 = arith.constant 0 : i32
    %dma_start3A_45 = tpu.memref_slice %arg3[%mul3A_2, %dma_start3A_44] : memref<1024x1008xf32, #tpu.memory_space<hbm>> -> memref<16x1008xf32, #tpu.memory_space<hbm>>
    %dma_start3A_46 = arith.constant 0 : i32
    %dma_start3A_47 = tpu.memref_slice %arg3[%mul3A_2, %dma_start3A_46] : memref<1024x1008xf32, #tpu.memory_space<hbm>> -> memref<16x1008xf32, #tpu.memory_space<hbm>>
    %dma_start3A_48 = arith.constant 0 : i32
    %dma_start3A_49 = arith.constant 0 : i32
    %dma_start3A_50 = tpu.memref_slice %arg5[%dma_start3A_48, %dma_start3A_49] : memref<32x1008xf32, #tpu.memory_space<vmem>> -> memref<16x1008xf32, #tpu.memory_space<vmem>>
    tpu.enqueue_dma source(%dma_start3A_50 : memref<16x1008xf32, #tpu.memory_space<vmem>>) target(%dma_start3A_47 : memref<16x1008xf32, #tpu.memory_space<hbm>>) target_semaphore(%arg8 : memref<!tpu.dma_semaphore, #tpu.memory_space<semaphore_mem>>)
    %dma_wait3A_51 = arith.constant 16 : i32
    %dma_wait3A_52 = arith.constant 0 : i32
    %dma_wait3A_53 = tpu.memref_slice %arg4[%dma_wait3A_51, %dma_wait3A_52] : memref<32x1000xi32, #tpu.memory_space<vmem>> -> memref<16x1000xi32, #tpu.memory_space<vmem>>
    %dma_wait3A_54 = arith.constant 0 : i32
    %dma_wait3A_55 = tpu.memref_slice %arg2[%add3A_13, %dma_wait3A_54] : memref<1024x1000xi32, #tpu.memory_space<hbm>> -> memref<16x1000xi32, #tpu.memory_space<hbm>>
    %dma_wait3A_56 = arith.constant 16 : i32
    %dma_wait3A_57 = arith.constant 0 : i32
    %dma_wait3A_58 = tpu.memref_slice %arg4[%dma_wait3A_56, %dma_wait3A_57] : memref<32x1000xi32, #tpu.memory_space<vmem>> -> memref<16x1000xi32, #tpu.memory_space<vmem>>
    %dma_wait3A_59 = arith.constant 0 : i32
    %dma_wait3A_60 = tpu.memref_slice %arg2[%add3A_13, %dma_wait3A_59] : memref<1024x1000xi32, #tpu.memory_space<hbm>> -> memref<16x1000xi32, #tpu.memory_space<hbm>>
    tpu.wait_dma2 semaphore(%arg7 : memref<!tpu.dma_semaphore, #tpu.memory_space<semaphore_mem>>) src(%dma_wait3A_60 : memref<16x1000xi32, #tpu.memory_space<hbm>>) dst(%dma_wait3A_58 : memref<16x1000xi32, #tpu.memory_space<vmem>>)
    %add3A_61 = arith.constant 16 : i32
    %add3A_62 = vector.broadcast %add3A_61 : i32 to vector<16xi32>
    %add3A_63 = arith.addi %iota3A, %add3A_62 : vector<16xi32>
    %parallel_loop3A_64 = arith.constant 0 : i32
    %parallel_loop3A_65 = arith.constant 1000 : i32
    %parallel_loop3A_66 = arith.constant 1 : i32
    scf.for %parallel_loop3A_79 = %parallel_loop3A_64 to %parallel_loop3A_65 step %parallel_loop3A_66  : i32 {
      %parallel_loop3A_80 = vector.broadcast %parallel_loop3A_79 : i32 to vector<16xi32>
      %parallel_loop3A_81 = tpu.vector_load_idx %arg4[%add3A_63, %parallel_loop3A_80] : memref<32x1000xi32, #tpu.memory_space<vmem>>[vector<16xi32>, vector<16xi32>], vector<16xi32>,
      tpu.vector_store_idx %arg5[%add3A_63, %parallel_loop3A_81], %broadcast_in_dim3A_28 {add = true} : memref<32x1008xf32, #tpu.memory_space<vmem>>[vector<16xi32>, vector<16xi32>], vector<16xf32>,
    } {sc.loop_unroll_factor = 8 : i64, sc.parallel_access}
    %dma_wait3A_67 = arith.constant 0 : i32
    %dma_wait3A_68 = arith.constant 0 : i32
    %dma_wait3A_69 = tpu.memref_slice %arg5[%dma_wait3A_67, %dma_wait3A_68] : memref<32x1008xf32, #tpu.memory_space<vmem>> -> memref<16x1008xf32, #tpu.memory_space<vmem>>
    %dma_wait3A_70 = arith.constant 0 : i32
    %dma_wait3A_71 = tpu.memref_slice %arg3[%mul3A_2, %dma_wait3A_70] : memref<1024x1008xf32, #tpu.memory_space<hbm>> -> memref<16x1008xf32, #tpu.memory_space<hbm>>
    %dma_wait3A_72 = arith.constant 0 : i32
    %dma_wait3A_73 = tpu.memref_slice %arg3[%mul3A_2, %dma_wait3A_72] : memref<1024x1008xf32, #tpu.memory_space<hbm>> -> memref<16x1008xf32, #tpu.memory_space<hbm>>
    %dma_wait3A_74 = arith.constant 0 : i32
    %dma_wait3A_75 = arith.constant 0 : i32
    %dma_wait3A_76 = tpu.memref_slice %arg5[%dma_wait3A_74, %dma_wait3A_75] : memref<32x1008xf32, #tpu.memory_space<vmem>> -> memref<16x1008xf32, #tpu.memory_space<vmem>>
    tpu.wait_dma2 semaphore(%arg8 : memref<!tpu.dma_semaphore, #tpu.memory_space<semaphore_mem>>) src(%dma_wait3A_76 : memref<16x1008xf32, #tpu.memory_space<vmem>>) dst(%dma_wait3A_73 : memref<16x1008xf32, #tpu.memory_space<hbm>>)
    %add3A_77 = arith.constant 16 : i32
    %add3A_78 = arith.addi %mul3A_2, %add3A_77 : i32
    "tpu.region"() ({
      %run_scoped3A = tpu.sem_alloc : memref<!tpu.dma_semaphore, #tpu.memory_space<semaphore_mem>>
      %dma_start3A_79 = arith.constant 16 : i32
      %dma_start3A_80 = arith.constant 0 : i32
      %dma_start3A_81 = tpu.memref_slice %arg5[%dma_start3A_79, %dma_start3A_80] : memref<32x1008xf32, #tpu.memory_space<vmem>> -> memref<16x1008xf32, #tpu.memory_space<vmem>>
      %dma_start3A_82 = arith.constant 0 : i32
      %dma_start3A_83 = tpu.memref_slice %arg3[%add3A_78, %dma_start3A_82] : memref<1024x1008xf32, #tpu.memory_space<hbm>> -> memref<16x1008xf32, #tpu.memory_space<hbm>>
      %dma_start3A_84 = arith.constant 0 : i32
      %dma_start3A_85 = tpu.memref_slice %arg3[%add3A_78, %dma_start3A_84] : memref<1024x1008xf32, #tpu.memory_space<hbm>> -> memref<16x1008xf32, #tpu.memory_space<hbm>>
      %dma_start3A_86 = arith.constant 16 : i32
      %dma_start3A_87 = arith.constant 0 : i32
      %dma_start3A_88 = tpu.memref_slice %arg5[%dma_start3A_86, %dma_start3A_87] : memref<32x1008xf32, #tpu.memory_space<vmem>> -> memref<16x1008xf32, #tpu.memory_space<vmem>>
      tpu.enqueue_dma source(%dma_start3A_88 : memref<16x1008xf32, #tpu.memory_space<vmem>>) target(%dma_start3A_85 : memref<16x1008xf32, #tpu.memory_space<hbm>>) target_semaphore(%run_scoped3A : memref<!tpu.dma_semaphore, #tpu.memory_space<semaphore_mem>>)
      %dma_wait3A_89 = arith.constant 16 : i32
      %dma_wait3A_90 = arith.constant 0 : i32
      %dma_wait3A_91 = tpu.memref_slice %arg5[%dma_wait3A_89, %dma_wait3A_90] : memref<32x1008xf32, #tpu.memory_space<vmem>> -> memref<16x1008xf32, #tpu.memory_space<vmem>>
      %dma_wait3A_92 = arith.constant 0 : i32
      %dma_wait3A_93 = tpu.memref_slice %arg3[%add3A_78, %dma_wait3A_92] : memref<1024x1008xf32, #tpu.memory_space<hbm>> -> memref<16x1008xf32, #tpu.memory_space<hbm>>
      %dma_wait3A_94 = arith.constant 0 : i32
      %dma_wait3A_95 = tpu.memref_slice %arg3[%add3A_78, %dma_wait3A_94] : memref<1024x1008xf32, #tpu.memory_space<hbm>> -> memref<16x1008xf32, #tpu.memory_space<hbm>>
      %dma_wait3A_96 = arith.constant 16 : i32
      %dma_wait3A_97 = arith.constant 0 : i32
      %dma_wait3A_98 = tpu.memref_slice %arg5[%dma_wait3A_96, %dma_wait3A_97] : memref<32x1008xf32, #tpu.memory_space<vmem>> -> memref<16x1008xf32, #tpu.memory_space<vmem>>
      tpu.wait_dma2 semaphore(%run_scoped3A : memref<!tpu.dma_semaphore, #tpu.memory_space<semaphore_mem>>) src(%dma_wait3A_98 : memref<16x1008xf32, #tpu.memory_space<vmem>>) dst(%dma_wait3A_95 : memref<16x1008xf32, #tpu.memory_space<hbm>>)
      tpu.yield
    }) : () -> ()
    return
  }
}

module attributes {stable_mosaic.version = 14 : i64} {
  func.func @_tc_body(%arg0: i32, %arg1: memref<1024x1008xf32, #tpu.memory_space<vmem>>, %arg2: memref<1000x32xf32, #tpu.memory_space<vmem>>, %arg3: memref<32x64xf32, #tpu.memory_space<vmem>>, %arg4: memref<1x64xf32, #tpu.memory_space<vmem>>, %arg5: memref<64x32xf32, #tpu.memory_space<vmem>>, %arg6: memref<1x32xf32, #tpu.memory_space<vmem>>, %arg7: memref<32x1xf32, #tpu.memory_space<vmem>>, %arg8: memref<1x1xf32, #tpu.memory_space<vmem>>, %arg9: memref<1024x1xf32, #tpu.memory_space<vmem>>, %arg10: memref<1008x128xbf16, #tpu.memory_space<vmem>>) attributes {dimension_semantics = [#tpu.dimension_semantics<arbitrary>], iteration_bounds = array<i64: 1>, scalar_prefetch = 0 : i64, scratch_operands = 1 : i64, tpu.core_type = #tpu.core_type<tc>, window_params = [{transform_indices = @transform_0, window_bounds = array<i64: 1024, 1008>}, {pipeline_mode = #tpu.pipeline_mode<synchronous>, transform_indices = @transform_1, window_bounds = array<i64: 1000, 32>}, {pipeline_mode = #tpu.pipeline_mode<synchronous>, transform_indices = @transform_2, window_bounds = array<i64: 32, 64>}, {pipeline_mode = #tpu.pipeline_mode<synchronous>, transform_indices = @transform_3, window_bounds = array<i64: 1, 64>}, {pipeline_mode = #tpu.pipeline_mode<synchronous>, transform_indices = @transform_4, window_bounds = array<i64: 64, 32>}, {pipeline_mode = #tpu.pipeline_mode<synchronous>, transform_indices = @transform_5, window_bounds = array<i64: 1, 32>}, {pipeline_mode = #tpu.pipeline_mode<synchronous>, transform_indices = @transform_6, window_bounds = array<i64: 32, 1>}, {pipeline_mode = #tpu.pipeline_mode<synchronous>, transform_indices = @transform_7, window_bounds = array<i64: 1, 1>}, {transform_indices = @transform_8, window_bounds = array<i64: 1024, 1>}]} {
    %eq3A = arith.constant 0 : i32
    %eq3A_0 = arith.cmpi eq, %arg0, %eq3A : i32
    %convert_element_type3A = arith.extui %eq3A_0 : i1 to i32
    %cond3A = arith.constant 0 : i32
    %cond3A_1 = arith.cmpi ne, %convert_element_type3A, %cond3A : i32
    scf.if %cond3A_1 {
      %get3A_52 = arith.constant 0 : index
      %get3A_53 = arith.constant 0 : index
      %get3A_54 = vector.load %arg2[%get3A_52, %get3A_53] : memref<1000x32xf32, #tpu.memory_space<vmem>>, vector<1000x32xf32>
      %mul3A_55 = arith.mulf %get3A_54, %get3A_54 : vector<1000x32xf32>
      %concatenate3A = tpu.concatenate %get3A_54, %mul3A_55 in 1 : vector<1000x32xf32>, vector<1000x32xf32> -> vector<1000x64xf32>
      %broadcast_in_dim3A = arith.constant 0.000000e+00 : f32
      %broadcast_in_dim3A_56 = vector.broadcast %broadcast_in_dim3A : f32 to vector<8x64xf32>
      %concatenate3A_57 = tpu.concatenate %concatenate3A, %broadcast_in_dim3A_56 in 0 : vector<1000x64xf32>, vector<8x64xf32> -> vector<1008x64xf32>
      %convert_element_type3A_58 = arith.truncf %concatenate3A_57 : vector<1008x64xf32> to vector<1008x64xbf16>
      %convert_element_type3A_59 = arith.extf %convert_element_type3A_58 : vector<1008x64xbf16> to vector<1008x64xf32>
      %sub3A_60 = arith.subf %concatenate3A_57, %convert_element_type3A_59 : vector<1008x64xf32>
      %convert_element_type3A_61 = arith.truncf %sub3A_60 : vector<1008x64xf32> to vector<1008x64xbf16>
      %concatenate3A_62 = tpu.concatenate %convert_element_type3A_58, %convert_element_type3A_61 in 1 : vector<1008x64xbf16>, vector<1008x64xbf16> -> vector<1008x128xbf16>
      %swap3A_63 = arith.constant 0 : index
      %swap3A_64 = arith.constant 0 : index
      %swap3A_65 = vector.load %arg10[%swap3A_63, %swap3A_64] : memref<1008x128xbf16, #tpu.memory_space<vmem>>, vector<1008x128xbf16>
      tpu.vector_store %arg10[%swap3A_63, %swap3A_64], %concatenate3A_62 {strides = array<i32>} : memref<1008x128xbf16, #tpu.memory_space<vmem>>, vector<1008x128xbf16>,
    } else {
    }
    %get3A = arith.constant 0 : index
    %get3A_2 = arith.constant 0 : index
    %get3A_3 = vector.load %arg1[%get3A, %get3A_2] : memref<1024x1008xf32, #tpu.memory_space<vmem>>, vector<1024x1008xf32>
    %convert_element_type3A_4 = arith.truncf %get3A_3 : vector<1024x1008xf32> to vector<1024x1008xbf16>
    %get3A_5 = arith.constant 0 : index
    %get3A_6 = arith.constant 0 : index
    %get3A_7 = vector.load %arg10[%get3A_5, %get3A_6] : memref<1008x128xbf16, #tpu.memory_space<vmem>>, vector<1008x128xbf16>
    %dot_general3A = arith.constant dense<0.000000e+00> : vector<1024x128xf32>
    %dot_general3A_8 = tpu.matmul %convert_element_type3A_4, %get3A_7, %dot_general3A {dimension_numbers = #tpu.dot_dimension_numbers<[1], [0], [0], [1], [0, 0, 1, 1], [], []>, transpose_lhs_hint = false} : vector<1024x1008xbf16>, vector<1008x128xbf16>, vector<1024x128xf32> -> vector<1024x128xf32>
    %slice3A = vector.extract_strided_slice %dot_general3A_8 {offsets = [0, 0], sizes = [1024, 64], strides = [1, 1]} : vector<1024x128xf32> to vector<1024x64xf32>
    %slice3A_9 = vector.extract_strided_slice %dot_general3A_8 {offsets = [0, 64], sizes = [1024, 64], strides = [1, 1]} : vector<1024x128xf32> to vector<1024x64xf32>
    %add3A = arith.addf %slice3A, %slice3A_9 : vector<1024x64xf32>
    %slice3A_10 = vector.extract_strided_slice %add3A {offsets = [0, 0], sizes = [1024, 32], strides = [1, 1]} : vector<1024x64xf32> to vector<1024x32xf32>
    %slice3A_11 = vector.extract_strided_slice %add3A {offsets = [0, 32], sizes = [1024, 32], strides = [1, 1]} : vector<1024x64xf32> to vector<1024x32xf32>
    %mul3A = arith.mulf %slice3A_10, %slice3A_10 : vector<1024x32xf32>
    %sub3A = arith.subf %mul3A, %slice3A_11 : vector<1024x32xf32>
    %mul3A_12 = arith.constant 5.000000e-01 : f32
    %mul3A_13 = vector.broadcast %mul3A_12 : f32 to vector<1024x32xf32>
    %mul3A_14 = arith.mulf %mul3A_13, %sub3A : vector<1024x32xf32>
    %get3A_15 = arith.constant 0 : index
    %get3A_16 = arith.constant 0 : index
    %get3A_17 = vector.load %arg3[%get3A_15, %get3A_16] : memref<32x64xf32, #tpu.memory_space<vmem>>, vector<32x64xf32>
    %dot_general3A_18 = arith.constant dense<0.000000e+00> : vector<1024x64xf32>
    %dot_general3A_19 = tpu.matmul %mul3A_14, %get3A_17, %dot_general3A_18 {dimension_numbers = #tpu.dot_dimension_numbers<[1], [0], [0], [1], [0, 0, 1, 1], [], []>, transpose_lhs_hint = false} : vector<1024x32xf32>, vector<32x64xf32>, vector<1024x64xf32> -> vector<1024x64xf32>
    %get3A_20 = arith.constant 0 : index
    %get3A_21 = arith.constant 0 : index
    %get3A_22 = vector.load %arg4[%get3A_20, %get3A_21] : memref<1x64xf32, #tpu.memory_space<vmem>>, vector<1x64xf32>
    %add3A_23 = vector.broadcast %get3A_22 : vector<1x64xf32> to vector<1024x64xf32>
    %add3A_24 = arith.addf %dot_general3A_19, %add3A_23 : vector<1024x64xf32>
    %max3A = arith.constant 0.000000e+00 : f32
    %max3A_25 = vector.broadcast %max3A : f32 to vector<1024x64xf32>
    %max3A_26 = arith.maximumf %add3A_24, %max3A_25 : vector<1024x64xf32>
    %get3A_27 = arith.constant 0 : index
    %get3A_28 = arith.constant 0 : index
    %get3A_29 = vector.load %arg5[%get3A_27, %get3A_28] : memref<64x32xf32, #tpu.memory_space<vmem>>, vector<64x32xf32>
    %dot_general3A_30 = arith.constant dense<0.000000e+00> : vector<1024x32xf32>
    %dot_general3A_31 = tpu.matmul %max3A_26, %get3A_29, %dot_general3A_30 {dimension_numbers = #tpu.dot_dimension_numbers<[1], [0], [0], [1], [0, 0, 1, 1], [], []>, transpose_lhs_hint = false} : vector<1024x64xf32>, vector<64x32xf32>, vector<1024x32xf32> -> vector<1024x32xf32>
    %get3A_32 = arith.constant 0 : index
    %get3A_33 = arith.constant 0 : index
    %get3A_34 = vector.load %arg6[%get3A_32, %get3A_33] : memref<1x32xf32, #tpu.memory_space<vmem>>, vector<1x32xf32>
    %add3A_35 = vector.broadcast %get3A_34 : vector<1x32xf32> to vector<1024x32xf32>
    %add3A_36 = arith.addf %dot_general3A_31, %add3A_35 : vector<1024x32xf32>
    %max3A_37 = arith.constant 0.000000e+00 : f32
    %max3A_38 = vector.broadcast %max3A_37 : f32 to vector<1024x32xf32>
    %max3A_39 = arith.maximumf %add3A_36, %max3A_38 : vector<1024x32xf32>
    %get3A_40 = arith.constant 0 : index
    %get3A_41 = arith.constant 0 : index
    %get3A_42 = vector.load %arg7[%get3A_40, %get3A_41] : memref<32x1xf32, #tpu.memory_space<vmem>>, vector<32x1xf32>
    %dot_general3A_43 = arith.constant dense<0.000000e+00> : vector<1024x1xf32>
    %dot_general3A_44 = tpu.matmul %max3A_39, %get3A_42, %dot_general3A_43 {dimension_numbers = #tpu.dot_dimension_numbers<[1], [0], [0], [1], [0, 0, 1, 1], [], []>, transpose_lhs_hint = false} : vector<1024x32xf32>, vector<32x1xf32>, vector<1024x1xf32> -> vector<1024x1xf32>
    %get3A_45 = arith.constant 0 : index
    %get3A_46 = arith.constant 0 : index
    %get3A_47 = vector.load %arg8[%get3A_45, %get3A_46] : memref<1x1xf32, #tpu.memory_space<vmem>>, vector<1x1xf32>
    %add3A_48 = vector.broadcast %get3A_47 : vector<1x1xf32> to vector<1024x1xf32>
    %add3A_49 = arith.addf %dot_general3A_44, %add3A_48 : vector<1024x1xf32>
    %swap3A = arith.constant 0 : index
    %swap3A_50 = arith.constant 0 : index
    %swap3A_51 = vector.load %arg9[%swap3A, %swap3A_50] : memref<1024x1xf32, #tpu.memory_space<vmem>>, vector<1024x1xf32>
    tpu.vector_store %arg9[%swap3A, %swap3A_50], %add3A_49 {strides = array<i32>} : memref<1024x1xf32, #tpu.memory_space<vmem>>, vector<1024x1xf32>,
    return
  }
  func.func @transform_0(%arg0: i32) -> (i32, i32) {
    %c0_i32 = arith.constant 0 : i32
    %c0_i32_0 = arith.constant 0 : i32
    return %arg0, %c0_i32 : i32, i32
  }
  func.func @transform_1(%arg0: i32) -> (i32, i32) {
    %c0_i32 = arith.constant 0 : i32
    %c0_i32_0 = arith.constant 0 : i32
    %c0_i32_1 = arith.constant 0 : i32
    return %c0_i32, %c0_i32_0 : i32, i32
  }
  func.func @transform_2(%arg0: i32) -> (i32, i32) {
    %c0_i32 = arith.constant 0 : i32
    %c0_i32_0 = arith.constant 0 : i32
    %c0_i32_1 = arith.constant 0 : i32
    return %c0_i32, %c0_i32_0 : i32, i32
  }
  func.func @transform_3(%arg0: i32) -> (i32, i32) {
    %c0_i32 = arith.constant 0 : i32
    %c0_i32_0 = arith.constant 0 : i32
    %c0_i32_1 = arith.constant 0 : i32
    return %c0_i32, %c0_i32_0 : i32, i32
  }
  func.func @transform_4(%arg0: i32) -> (i32, i32) {
    %c0_i32 = arith.constant 0 : i32
    %c0_i32_0 = arith.constant 0 : i32
    %c0_i32_1 = arith.constant 0 : i32
    return %c0_i32, %c0_i32_0 : i32, i32
  }
  func.func @transform_5(%arg0: i32) -> (i32, i32) {
    %c0_i32 = arith.constant 0 : i32
    %c0_i32_0 = arith.constant 0 : i32
    %c0_i32_1 = arith.constant 0 : i32
    return %c0_i32, %c0_i32_0 : i32, i32
  }
  func.func @transform_6(%arg0: i32) -> (i32, i32) {
    %c0_i32 = arith.constant 0 : i32
    %c0_i32_0 = arith.constant 0 : i32
    %c0_i32_1 = arith.constant 0 : i32
    return %c0_i32, %c0_i32_0 : i32, i32
  }
  func.func @transform_7(%arg0: i32) -> (i32, i32) {
    %c0_i32 = arith.constant 0 : i32
    %c0_i32_0 = arith.constant 0 : i32
    %c0_i32_1 = arith.constant 0 : i32
    return %c0_i32, %c0_i32_0 : i32, i32
  }
  func.func @transform_8(%arg0: i32) -> (i32, i32) {
    %c0_i32 = arith.constant 0 : i32
    %c0_i32_0 = arith.constant 0 : i32
    return %arg0, %c0_i32 : i32, i32
  }
}

</mosaic_0001>

<sc_bundles>
// kernel: kernel.4.cloned.1.call-start
scs
__scs_entry_jumppad:
0x0: {  	(pc) =	sbr.rel $0x88, $3  }
0x1: {  	(tag) =	ssettag $0x0;
	lr =	simm.s32 $0x1  }
0x2: {  	[smem:$0x3F99] =	sst lr;
	_ =	strace $0xD0000000  }
0x3: {  	_ = 	snop  }
0x4: {  	_ = 	snop  }
0x5: {  	_ = 	snop  }
0x6: {  	_ = 	snop  }
0x7: {  	_ = 	snop  }
__scs_overlays_trampoline_lowered:
0x8: {  	[smem:$0x3FA8] =	sst s0  }
0x9: {  	[smem:$0x3FA9] =	sst s1  }
0xa: {  	[smem:$0x3FAA] =	sst s2  }
0xb: {  	[smem:$0x3FAB] =	sst s3  }
0xc: {  	[smem:$0x3FAC] =	sst s4  }
0xd: {  	[smem:$0x3FAD] =	sst s5  }
0xe: {  	[smem:$0x3FAE] =	sst s6  }
0xf: {  	[smem:$0x3FAF] =	sst s7  }
0x10: {  	[smem:$0x3FB0] =	sst s8  }
0x11: {  	[smem:$0x3FB1] =	sst s9;
	s0 =	simm.s32 @!p0 $0x0  }
0x12: {  	s1 =	sld [smem:$0x3F97];
	s0 =	simm.s32 @p0 $0x1  }
0x13: {  	[smem:$0x3FB2] =	sst s0;
	s0 =	simm.s32 @!p1 $0x0  }
0x14: {  	s2 =	sld [smem:$0x3F96];
	s0 =	simm.s32 @p1 $0x1  }
0x15: {  	[smem:$0x3FB3] =	sst s0;
	s0 =	simm.s32 @!p2 $0x0  }
0x16: {  	s3 =	sld [smem:$0x3FDB];
	s0 =	simm.s32 @p2 $0x1  }
0x17: {  	s4 =	simm.s32 $0x1BF5;
	[smem:$0x3FB5] =	sst s0  }
0x18: {  	s0 =	sld [smem:$0x3F98];
	_ =	swait.ge [sflag:s4], $0x0  }
0x19: {  	s7 =	sld [smem:$0x3F99]  }
0x1a: {  	s8 =	sadd.s32 $0xFFFFE003, lr  }
0x1b: {  	s9 =	sadd.s32 $0xFFFFFEF7, lr;
	s5 =	simm.s32 $0xFFFFFFFF;
	p2 =	slt.u32 s8, $0xFFFFF086  }
0x1c: {  	p1 =	slt.u32 s9, $0xF7A;
	s5 =	simm.s32 @!p2 $0x0  }
0x1d: {  	s5 =	simm.s32 @p1 $0x1;
	p0 =	seq.s32 s7, s2  }
0x1e: {  	s7 =	smul.u32 @!p0 $0xF7A, s2;
	p2 =	seq.s32 @!p0 s5, $0x0  }
0x1f: {  	s9 =	smul.u32 $0xF7A, s1;
	s8 =	simm.s32 @!p0 $0x1BF5;
	p2 =	por !p2, p0  }
0x20: {  	[sflag:s8] =	ssyncset.s32 @!p0 $0xFFFFF086;
	s6 =	sadd.s32 @!p0 s3, s7;
	s7 =	simm.s32 @!p0 $0x108  }
0x21: {  	s3 =	sadd.s32 s3, s9;
	s6 =	sadd.s32 @!p0 $0x88, s6;
	s7 =	simm.s32 @p2 $0x1082  }
0x22: {  	[simem:s7], [sflag:s8] =	dma.local @!p0 [hbm:s6], $0xF7A  }
0x23: {  	s9 =	sor.u32 $0xD0000000, s2;
	s6 =	simm.s32 $0x108;
	_ =	swait.ge @!p0 [sflag:s8], $0x0  }
0x24: {  	s3 =	sadd.s32 $0x88, s3;
	s6 =	simm.s32 @!p1 $0x1082;
	[sflag:s4] =	ssyncset.s32 $0xFFFFF086  }
0x25: {  	[simem:s6], [sflag:s4] =	dma.local [hbm:s3], $0xF7A  }
0x26: {  	[smem:$0x3F99] =	sst s1;
	(tag) =	ssettag s2;
	_ =	strace s9  }
0x27: {  	s1 =	sld [smem:$0x3FA9]  }
0x28: {  	s2 =	sld [smem:$0x3FAA]  }
0x29: {  	s4 =	sld [smem:$0x3FAC]  }
0x2a: {  	p0 =	seq.s32 s5, $0x0;
	s5 =	sld [smem:$0x3FAD]  }
0x2b: {  	s6 =	sld [smem:$0x3FAE]  }
0x2c: {  	s7 =	sld [smem:$0x3FAF]  }
0x2d: {  	s3 =	simm.s32 $0x108;
	s8 =	sld [smem:$0x3FB0]  }
0x2e: {  	s3 =	simm.s32 @!p0 $0x1082;
	s9 =	sld [smem:$0x3FB1]  }
0x2f: {  	lr =	sadd.s32 s0, s3;
	s0 =	sld [smem:$0x3FA8]  }
0x30: {  	s3 =	sld [smem:$0x3FAB]  }
0x31: {  	[smem:$0x3FB4] =	sst s10  }
0x32: {  	s10 =	sld [smem:$0x3FB2];
	_ =	sdelay $0x3  }
0x33: {  	p0 =	seq.s32 s10, $0x1;
	s10 =	sld [smem:$0x3FB4];
	_ =	sdelay $0x3  }
0x34: {  	[smem:$0x3FB4] =	sst s10  }
0x35: {  	s10 =	sld [smem:$0x3FB3];
	_ =	sdelay $0x3  }
0x36: {  	p1 =	seq.s32 s10, $0x1;
	s10 =	sld [smem:$0x3FB4];
	_ =	sdelay $0x3  }
0x37: {  	[smem:$0x3FB4] =	sst s10  }
0x38: {  	s10 =	sld [smem:$0x3FB5]  }
0x39: {  	_ = 	snop;
	(pc) =	sbr.ind lr, $3  }
0x3a: {  	_ = 	snop  }
0x3b: {  	_ = 	snop  }
0x3c: {  	p2 =	seq.s32 s10, $0x1;
	s10 =	sld [smem:$0x3FB4]  }
0x3d: {  	_ =	shalt  }
0x3e: {  	_ =	shalt  }
0x3f: {  	_ =	shalt  }
0x40: {  	_ =	shalt  }
0x41: {  	_ =	shalt  }
0x42: {  	_ =	shalt  }
0x43: {  	_ =	shalt  }
0x44: {  	_ =	shalt  }
0x45: {  	_ =	shalt  }
0x46: {  	_ =	shalt  }
0x47: {  	_ =	shalt  }
0x48: {  	_ =	shalt  }
0x49: {  	_ =	shalt  }
0x4a: {  	_ =	shalt  }
0x4b: {  	_ =	shalt  }
0x4c: {  	_ =	shalt  }
0x4d: {  	_ =	shalt  }
0x4e: {  	_ =	shalt  }
0x4f: {  	_ =	shalt  }
0x50: {  	_ =	shalt  }
0x51: {  	_ =	shalt  }
0x52: {  	_ =	shalt  }
0x53: {  	_ =	shalt  }
0x54: {  	_ =	shalt  }
0x55: {  	_ =	shalt  }
0x56: {  	_ =	shalt  }
0x57: {  	_ =	shalt  }
0x58: {  	_ =	shalt  }
0x59: {  	_ =	shalt  }
0x5a: {  	_ =	shalt  }
0x5b: {  	_ =	shalt  }
0x5c: {  	_ =	shalt  }
0x5d: {  	_ =	shalt  }
0x5e: {  	_ =	shalt  }
0x5f: {  	_ =	shalt  }
0x60: {  	_ =	shalt  }
0x61: {  	_ =	shalt  }
0x62: {  	_ =	shalt  }
0x63: {  	_ =	shalt  }
0x64: {  	_ =	shalt  }
0x65: {  	_ =	shalt  }
0x66: {  	_ =	shalt  }
0x67: {  	_ =	shalt  }
0x68: {  	_ =	shalt  }
0x69: {  	_ =	shalt  }
0x6a: {  	_ =	shalt  }
0x6b: {  	_ =	shalt  }
0x6c: {  	_ =	shalt  }
0x6d: {  	_ =	shalt  }
0x6e: {  	_ =	shalt  }
0x6f: {  	_ =	shalt  }
0x70: {  	_ =	shalt  }
0x71: {  	_ =	shalt  }
0x72: {  	_ =	shalt  }
0x73: {  	_ =	shalt  }
0x74: {  	_ =	shalt  }
0x75: {  	_ =	shalt  }
0x76: {  	_ =	shalt  }
0x77: {  	_ =	shalt  }
0x78: {  	_ =	shalt  }
0x79: {  	_ =	shalt  }
0x7a: {  	_ =	shalt  }
0x7b: {  	_ =	shalt  }
0x7c: {  	_ =	shalt  }
0x7d: {  	_ =	shalt  }
0x7e: {  	_ =	shalt  }
0x7f: {  	_ =	shalt  }
0x80: {  	_ =	shalt  }
0x81: {  	_ =	shalt  }
0x82: {  	_ =	shalt  }
0x83: {  	_ =	shalt  }
0x84: {  	_ =	shalt  }
0x85: {  	_ =	shalt  }
0x86: {  	_ =	shalt  }
0x87: {  	_ =	shalt  }
.Lfunc_end0:
.L_simem_size_0:
called_computation_lowered:
.L_overlay_start_0:
0x88: {  	s2 =	sld [smem:$0x3FD9]  }
0x89: {  	s3 =	sld [smem:$0x3FFE];
	_ =	sdelay $0x1  }
0x8a: {  	s1 =	srdreg.scid  }
0x8b: {  	s0 =	sand.u32 $0x1, s1  }
0x8c: {  	s16 =	sshll.u32 s0, $0xA;
	s2 =	sadd.s32 s3, s2  }
0x8d: {  	s2 =	sadd.s32 s2, s16  }
0x8e: {  	[smem:$0x3FC0] =	sst s2  }
0x8f: {  	_ = 	snop  }
0x90: {  	(tm) =	ssettm $0x1  }
0x91: {  	s17 =	sld [smem:$0x3FFB];
	_ =	sdelay $0x3  }
0x92: {  	_ =	strace s17  }
0x93: {  	s2 =	sld [smem:$0x3FFC];
	_ =	sdelay $0x3  }
0x94: {  	_ =	strace s2  }
0x95: {  	s2 =	sld [smem:$0x3FFD];
	_ =	sdelay $0x3  }
0x96: {  	_ =	strace s2  }
0x97: {  	_ =	strace $0x8FFFFFFF  }
0x98: {  	s18 =	sld [smem:$0x3FDB];
	_ =	sdelay $0x1  }
0x99: {  	s19 =	simm.s32 $_scs_section_size  }
0x9a: {  	s4 =	simm.s32 $_size__tile_overlayer_lowered;
	s5 =	simm.s32 $_tile_overlayer_lowered  }
0x9b: {  	s22 =	simm.s32 $0x1BFF;
	s21 =	sshll.u32 s5, $0x1;
	s2 =	sadd.s32 s19, s18  }
0x9c: {  	s6 =	simm.s32 $0x0;
	s20 =	sshll.u32 s4, $0x1;
	s4 =	sadd.s32 s21, s2  }
0x9d: {  	[timem:s6], [sflag:s22] =	dma.local [hbm:s4], s20  }
0x9e: {  	_ =	swait.ge [sflag:s22], s20  }
0x9f: {  	s3 =	ssub.s32 $0x0, s20;
	[sflag:s22] =	ssyncset.done $0x0  }
0xa0: {  	[sflag:s22] =	ssyncadd.s32 s3;
	_ =	sdelay $0x1  }
0xa1: {  	s23 =	simm.s32 $0x1B8B  }
0xa2: {  	_ =	swait.ge [sflag:s23], $0x1  }
0xa3: {  	[sflag:s23] =	ssyncset.done $0x0  }
0xa4: {  	s25 =	simm.s32 $0x1B8E;
	s24 =	sld [smem:$0x3FFE];
	[sflag:s23] =	ssyncadd.s32 $0xFFFFFFFF  }
0xa5: {  	s26 =	simm.s32 $execute0_lowered;
	[smem:$0x3FD2] =	sst s25  }
0xa6: {  	s4 =	sshll.u32 s26, $0x1;
	_ =	strace $0x80000046;
	[dreg:$0x1] =	wrdreg $0xFFFFFFFF  }
0xa7: {  	s28 =	simm.s32 $_size_execute0_lowered;
	s2 =	sadd.s32 s2, s4;
	[dreg:$0x0] =	wrdreg $0x0  }
0xa8: {  	s4 =	sshll.u32 s28, $0x1;
	[dreg:$0x2] =	wrdreg s2  }
0xa9: {  	[dreg:$0x3] =	wrdreg s4  }
0xaa: {  	[dreg:$0x4] =	wrdreg $0xC0  }
0xab: {  	_ =	task [dreg:s6], $0x5FFFF  }
0xac: {  	[dreg:$0x1] =	wrdreg $0xFFFFFFFF  }
0xad: {  	[dreg:$0x0] =	wrdreg $0x60  }
0xae: {  	[dreg:$0x2] =	wrdreg s24  }
0xaf: {  	[dreg:$0x3] =	wrdreg $0x9  }
0xb0: {  	_ =	task.clear_ibuf [dreg:s6], $0x4FFFF;
	_ =	strace $0x90000046  }
0xb1: {  	s29 =	simm.s32 $0x9;
	_ =	strace $0x80000048  }
0xb2: {  	_ =	swait.ge [sflag:s29], $0x1  }
0xb3: {  	[sflag:s29] =	ssyncadd.s32 $0xFFFFFFFF  }
0xb4: {  	_ =	strace $0x90000048  }
0xb5: {  	_ =	sfence  }
0xb6: {  	s30 =	sld [smem:$0x0];
	_ =	sdelay $0x2  }
0xb7: {  	s31 =	sshll.u32 s1, $0xD;
	s1 =	sshrl.u32 s1, $0x2  }
0xb8: {  	s3 =	sand.u32 $0x4000, s31;
	s1 =	sadd.s32 s1, s30  }
0xb9: {  	s0 =	sor.u32 s3, s0;
	s1 =	sshll.u32 s1, $0x11  }
0xba: {  	s0 =	sor.u32 s1, s0  }
0xbb: {  	s0 =	sadd.s32 $0x8F2B, s0  }
0xbc: {  	[sflag:s0] =	ssyncadd.remote.s32 $0x1  }
0xbd: {  	_ =	sfence.sel $0xFFFF  }
0xbe: {  	[dreg:$0x0] =	wrdreg $0xFFFFFFFF;
	(pc) =	sbr.abs _section_cstart, $3  }
0xbf: {  	[dreg:$0x1] =	wrdreg $0xFFFFFFFF  }
0xc0: {  	_ =	task.clear_ibuf [dreg:s6], $0x2FFFF;
	_ =	strace $0x9FFFFFFF  }
0xc1: {  	(tm) =	ssettm $0x7FFFFFFF  }
tec
execute0_lowered:
.L_overlay_start_1:
0x0: {  	(tag) =	ssettag $0x1  }
0x1: {  	s1 =	srdreg.scid  }
0x2: {  	s0 =	stileid.u32;
	s4 =	rddreg [dreg:$0x0];
	s12 =	simm.s32 $0x3  }
0x3: {  	s13 =	simm.s32 $0xBC00;
	s14 =	simm.s32 $0x4;
	s3 =	sand.u32 $0x1, s1  }
0x4: {  	v2 =	vlaneseq.u32;
	s15 =	simm.s32 $0x0;
	s2 =	sshll.u32 s0, $0x6;
	s5 =	sshll.u32 s3, $0x5  }
0x5: {  	s1 =	rddreg [dreg:$0x1];
	v0 =	vmul.u32 $0x3E8, v2;
	s9 =	sadd.s32 $0x1000, s4;
	s5 =	sor.u32 s5, s2  }
0x6: {  	v1 =	vimm.f32 $0.0e+00;
	s11 =	sadd.s32 $0x20400, s4;
	s3 =	ssub.s32 $0x2, s3;
	s6 =	smul.u32 $0x7D, s5  }
0x7: {  	v3 =	vimm.f32 $1.000000000e+00;
	v2 =	vmul.u32 $0x3F0, v2;
	s2 =	simm.s32 $0x0;
	v4 =	vor.u32 $0x1, v0;
	s7 =	sor.u32 $0x10, s5;
	s5 =	smul.u32 $0x7E, s5  }
0x8: {  	s10 =	sshrl.u32 s3, $0x1;
	v5 =	vor.u32 $0x2, v0;
	v6 =	vor.u32 $0x3, v0;
	v7 =	vor.u32 $0x4, v0;
	[smem:$0x7FF] =	sst s2;
	s8 =	smul.u32 $0x7D, s7  }
0x9: {  	v8 =	vor.u32 $0x5, v0;
	v9 =	vor.u32 $0x6, v0;
	v10 =	vor.u32 $0x7, v0;
	s10 =	ssub.s32 s3, s10;
	_ =	strace $0x80000047;
	s7 =	smul.u32 $0x7E, s7  }
0xa: {  	v11 =	vadd.s32 $0x3E80, v0;
	v12 =	vadd.s32 $0x3F00, v2;
	v13 =	vadd.s32 $0x3E81, v0;
	s3 =	sadd.s32 s9, s6;
	s5 =	sadd.s32 s11, s5;
	s4 =	sadd.s32 s9, s8  }
0xb: {  	v14 =	vadd.s32 $0x3E82, v0;
	v15 =	vadd.s32 $0x3E83, v0;
	v16 =	vadd.s32 $0x3E84, v0;
	s6 =	sadd.s32 s11, s7;
	s7 =	smax.u32 s10, $0x1;
	s8 =	simm.s32 $0x3E80  }
0xc: {  	v17 =	vadd.s32 $0x3E85, v0;
	v18 =	vadd.s32 $0x3E86, v0;
	v19 =	vadd.s32 $0x3E87, v0;
	s9 =	simm.s32 $0x1;
	s10 =	simm.s32 $0x7D00;
	s11 =	simm.s32 $0x2  }
.LBB2_1:
0xd: {  	[tilespmem:s2], [sflag:$0x1] =	stream.linear.gather [hbm4b:s3+s2], $0x3E80, $0x38;
	[tilespmem:$0xFB00] =	vst v63  }
0xe: {  	s16 =	simm.s32 $0x80F0  }
0xf: {  	[tilespmem:s8], [sflag:$0x2] =	stream.linear.gather [hbm4b:s4+s2], $0x3E80, $0x38;
	[tilespmem:$0xFB00] =	vst v63  }
0x10: {  	[tilespmem:s16+$0xFFFFFC10] =	vst v1  }
0x11: {  	[tilespmem:s16+$0x3E0] =	vst v1  }
0x12: {  	[tilespmem:s16+$0x3D0] =	vst v1  }
0x13: {  	[tilespmem:s16+$0x3C0] =	vst v1  }
0x14: {  	[tilespmem:s16+$0x3B0] =	vst v1  }
0x15: {  	[tilespmem:s16+$0x3A0] =	vst v1  }
0x16: {  	[tilespmem:s16+$0x390] =	vst v1  }
0x17: {  	[tilespmem:s16+$0x380] =	vst v1  }
0x18: {  	[tilespmem:s16+$0x370] =	vst v1  }
0x19: {  	[tilespmem:s16+$0x360] =	vst v1  }
0x1a: {  	[tilespmem:s16+$0x350] =	vst v1  }
0x1b: {  	[tilespmem:s16+$0x340] =	vst v1  }
0x1c: {  	[tilespmem:s16+$0x330] =	vst v1  }
0x1d: {  	[tilespmem:s16+$0x320] =	vst v1  }
0x1e: {  	[tilespmem:s16+$0x310] =	vst v1  }
0x1f: {  	[tilespmem:s16+$0x300] =	vst v1  }
0x20: {  	[tilespmem:s16+$0x2F0] =	vst v1  }
0x21: {  	[tilespmem:s16+$0x2E0] =	vst v1  }
0x22: {  	[tilespmem:s16+$0x2D0] =	vst v1  }
0x23: {  	[tilespmem:s16+$0x2C0] =	vst v1  }
0x24: {  	[tilespmem:s16+$0x2B0] =	vst v1  }
0x25: {  	[tilespmem:s16+$0x2A0] =	vst v1  }
0x26: {  	[tilespmem:s16+$0x290] =	vst v1  }
0x27: {  	[tilespmem:s16+$0x280] =	vst v1  }
0x28: {  	[tilespmem:s16+$0x270] =	vst v1  }
0x29: {  	[tilespmem:s16+$0x260] =	vst v1  }
0x2a: {  	[tilespmem:s16+$0x250] =	vst v1  }
0x2b: {  	[tilespmem:s16+$0x240] =	vst v1  }
0x2c: {  	[tilespmem:s16+$0x230] =	vst v1  }
0x2d: {  	[tilespmem:s16+$0x220] =	vst v1  }
0x2e: {  	[tilespmem:s16+$0x210] =	vst v1  }
0x2f: {  	[tilespmem:s16+$0x200] =	vst v1  }
0x30: {  	[tilespmem:s16+$0x1F0] =	vst v1  }
0x31: {  	[tilespmem:s16+$0x1E0] =	vst v1  }
0x32: {  	[tilespmem:s16+$0x1D0] =	vst v1  }
0x33: {  	[tilespmem:s16+$0x1C0] =	vst v1  }
0x34: {  	[tilespmem:s16+$0x1B0] =	vst v1  }
0x35: {  	[tilespmem:s16+$0x1A0] =	vst v1  }
0x36: {  	[tilespmem:s16+$0x190] =	vst v1  }
0x37: {  	[tilespmem:s16+$0x180] =	vst v1  }
0x38: {  	[tilespmem:s16+$0x170] =	vst v1  }
0x39: {  	[tilespmem:s16+$0x160] =	vst v1  }
0x3a: {  	[tilespmem:s16+$0x150] =	vst v1  }
0x3b: {  	[tilespmem:s16+$0x140] =	vst v1  }
0x3c: {  	[tilespmem:s16+$0x130] =	vst v1  }
0x3d: {  	[tilespmem:s16+$0x120] =	vst v1  }
0x3e: {  	[tilespmem:s16+$0x110] =	vst v1  }
0x3f: {  	[tilespmem:s16+$0x100] =	vst v1  }
0x40: {  	[tilespmem:s16+$0xF0] =	vst v1  }
0x41: {  	[tilespmem:s16+$0xE0] =	vst v1  }
0x42: {  	[tilespmem:s16+$0xD0] =	vst v1  }
0x43: {  	[tilespmem:s16+$0xC0] =	vst v1  }
0x44: {  	[tilespmem:s16+$0xB0] =	vst v1  }
0x45: {  	[tilespmem:s16+$0xA0] =	vst v1  }
0x46: {  	[tilespmem:s16+$0x90] =	vst v1  }
0x47: {  	[tilespmem:s16+$0x80] =	vst v1  }
0x48: {  	[tilespmem:s16+$0x70] =	vst v1  }
0x49: {  	[tilespmem:s16+$0x60] =	vst v1  }
0x4a: {  	[tilespmem:s16+$0x50] =	vst v1  }
0x4b: {  	[tilespmem:s16+$0x40] =	vst v1  }
0x4c: {  	[tilespmem:s16+$0x30] =	vst v1  }
0x4d: {  	[tilespmem:s16+$0x20] =	vst v1  }
0x4e: {  	[tilespmem:s16+$0x10] =	vst v1  }
0x4f: {  	[tilespmem:s16+$0x0] =	vst v1  }
0x50: {  	[tilespmem:s16+$0xFFFFFFF0] =	vst v1  }
0x51: {  	[tilespmem:s16+$0xFFFFFFE0] =	vst v1  }
0x52: {  	[tilespmem:s16+$0xFFFFFFD0] =	vst v1  }
0x53: {  	[tilespmem:s16+$0xFFFFFFC0] =	vst v1  }
0x54: {  	[tilespmem:s16+$0xFFFFFFB0] =	vst v1  }
0x55: {  	[tilespmem:s16+$0xFFFFFFA0] =	vst v1  }
0x56: {  	[tilespmem:s16+$0xFFFFFF90] =	vst v1  }
0x57: {  	[tilespmem:s16+$0xFFFFFF80] =	vst v1  }
0x58: {  	[tilespmem:s16+$0xFFFFFF70] =	vst v1  }
0x59: {  	[tilespmem:s16+$0xFFFFFF60] =	vst v1  }
0x5a: {  	[tilespmem:s16+$0xFFFFFF50] =	vst v1  }
0x5b: {  	[tilespmem:s16+$0xFFFFFF40] =	vst v1  }
0x5c: {  	[tilespmem:s16+$0xFFFFFF30] =	vst v1  }
0x5d: {  	[tilespmem:s16+$0xFFFFFF20] =	vst v1  }
0x5e: {  	[tilespmem:s16+$0xFFFFFF10] =	vst v1  }
0x5f: {  	[tilespmem:s16+$0xFFFFFF00] =	vst v1  }
0x60: {  	[tilespmem:s16+$0xFFFFFEF0] =	vst v1  }
0x61: {  	[tilespmem:s16+$0xFFFFFEE0] =	vst v1  }
0x62: {  	[tilespmem:s16+$0xFFFFFED0] =	vst v1  }
0x63: {  	[tilespmem:s16+$0xFFFFFEC0] =	vst v1  }
0x64: {  	[tilespmem:s16+$0xFFFFFEB0] =	vst v1  }
0x65: {  	[tilespmem:s16+$0xFFFFFEA0] =	vst v1  }
0x66: {  	[tilespmem:s16+$0xFFFFFE90] =	vst v1  }
0x67: {  	[tilespmem:s16+$0xFFFFFE80] =	vst v1  }
0x68: {  	[tilespmem:s16+$0xFFFFFE70] =	vst v1  }
0x69: {  	[tilespmem:s16+$0xFFFFFE60] =	vst v1  }
0x6a: {  	[tilespmem:s16+$0xFFFFFE50] =	vst v1  }
0x6b: {  	[tilespmem:s16+$0xFFFFFE40] =	vst v1  }
0x6c: {  	[tilespmem:s16+$0xFFFFFE30] =	vst v1  }
0x6d: {  	[tilespmem:s16+$0xFFFFFE20] =	vst v1  }
0x6e: {  	[tilespmem:s16+$0xFFFFFE10] =	vst v1  }
0x6f: {  	[tilespmem:s16+$0xFFFFFE00] =	vst v1  }
0x70: {  	[tilespmem:s16+$0xFFFFFDF0] =	vst v1  }
0x71: {  	[tilespmem:s16+$0xFFFFFDE0] =	vst v1  }
0x72: {  	[tilespmem:s16+$0xFFFFFDD0] =	vst v1  }
0x73: {  	[tilespmem:s16+$0xFFFFFDC0] =	vst v1  }
0x74: {  	[tilespmem:s16+$0xFFFFFDB0] =	vst v1  }
0x75: {  	[tilespmem:s16+$0xFFFFFDA0] =	vst v1  }
0x76: {  	[tilespmem:s16+$0xFFFFFD90] =	vst v1  }
0x77: {  	[tilespmem:s16+$0xFFFFFD80] =	vst v1  }
0x78: {  	[tilespmem:s16+$0xFFFFFD70] =	vst v1  }
0x79: {  	[tilespmem:s16+$0xFFFFFD60] =	vst v1  }
0x7a: {  	[tilespmem:s16+$0xFFFFFD50] =	vst v1  }
0x7b: {  	[tilespmem:s16+$0xFFFFFD40] =	vst v1  }
0x7c: {  	[tilespmem:s16+$0xFFFFFD30] =	vst v1  }
0x7d: {  	[tilespmem:s16+$0xFFFFFD20] =	vst v1  }
0x7e: {  	[tilespmem:s16+$0xFFFFFD10] =	vst v1  }
0x7f: {  	[tilespmem:s16+$0xFFFFFD00] =	vst v1  }
0x80: {  	[tilespmem:s16+$0xFFFFFCF0] =	vst v1  }
0x81: {  	[tilespmem:s16+$0xFFFFFCE0] =	vst v1  }
0x82: {  	[tilespmem:s16+$0xFFFFFCD0] =	vst v1  }
0x83: {  	[tilespmem:s16+$0xFFFFFCC0] =	vst v1  }
0x84: {  	[tilespmem:s16+$0xFFFFFCB0] =	vst v1  }
0x85: {  	[tilespmem:s16+$0xFFFFFCA0] =	vst v1  }
0x86: {  	[tilespmem:s16+$0xFFFFFC90] =	vst v1  }
0x87: {  	[tilespmem:s16+$0xFFFFFC80] =	vst v1  }
0x88: {  	[tilespmem:s16+$0xFFFFFC70] =	vst v1  }
0x89: {  	[tilespmem:s16+$0xFFFFFC60] =	vst v1  }
0x8a: {  	[tilespmem:s16+$0xFFFFFC50] =	vst v1  }
0x8b: {  	[tilespmem:s16+$0xFFFFFC40] =	vst v1  }
0x8c: {  	s17 =	simm.s32 $0x0;
	[tilespmem:s16+$0xFFFFFC30] =	vst v1  }
.LBB2_2:
0x8d: {  	s17 =	sadd.s32 $0x2, s17;
	[tilespmem:s16+$0xFFFFFC20] =	vst v1;
	s16 =	sadd.s32 $0x7E0, s16  }
0x8e: {  	[tilespmem:s16+$0xFFFFFC10] =	vst v1;
	p0 =	slt.u32 s17, $0x1E  }
0x8f: {  	[tilespmem:s16+$0x3E0] =	vst v1  }
0x90: {  	[tilespmem:s16+$0x3D0] =	vst v1  }
0x91: {  	[tilespmem:s16+$0x3C0] =	vst v1  }
0x92: {  	[tilespmem:s16+$0x3B0] =	vst v1  }
0x93: {  	[tilespmem:s16+$0x3A0] =	vst v1  }
0x94: {  	[tilespmem:s16+$0x390] =	vst v1  }
0x95: {  	[tilespmem:s16+$0x380] =	vst v1  }
0x96: {  	[tilespmem:s16+$0x370] =	vst v1  }
0x97: {  	[tilespmem:s16+$0x360] =	vst v1  }
0x98: {  	[tilespmem:s16+$0x350] =	vst v1  }
0x99: {  	[tilespmem:s16+$0x340] =	vst v1  }
0x9a: {  	[tilespmem:s16+$0x330] =	vst v1  }
0x9b: {  	[tilespmem:s16+$0x320] =	vst v1  }
0x9c: {  	[tilespmem:s16+$0x310] =	vst v1  }
0x9d: {  	[tilespmem:s16+$0x300] =	vst v1  }
0x9e: {  	[tilespmem:s16+$0x2F0] =	vst v1  }
0x9f: {  	[tilespmem:s16+$0x2E0] =	vst v1  }
0xa0: {  	[tilespmem:s16+$0x2D0] =	vst v1  }
0xa1: {  	[tilespmem:s16+$0x2C0] =	vst v1  }
0xa2: {  	[tilespmem:s16+$0x2B0] =	vst v1  }
0xa3: {  	[tilespmem:s16+$0x2A0] =	vst v1  }
0xa4: {  	[tilespmem:s16+$0x290] =	vst v1  }
0xa5: {  	[tilespmem:s16+$0x280] =	vst v1  }
0xa6: {  	[tilespmem:s16+$0x270] =	vst v1  }
0xa7: {  	[tilespmem:s16+$0x260] =	vst v1  }
0xa8: {  	[tilespmem:s16+$0x250] =	vst v1  }
0xa9: {  	[tilespmem:s16+$0x240] =	vst v1  }
0xaa: {  	[tilespmem:s16+$0x230] =	vst v1  }
0xab: {  	[tilespmem:s16+$0x220] =	vst v1  }
0xac: {  	[tilespmem:s16+$0x210] =	vst v1  }
0xad: {  	[tilespmem:s16+$0x200] =	vst v1  }
0xae: {  	[tilespmem:s16+$0x1F0] =	vst v1  }
0xaf: {  	[tilespmem:s16+$0x1E0] =	vst v1  }
0xb0: {  	[tilespmem:s16+$0x1D0] =	vst v1  }
0xb1: {  	[tilespmem:s16+$0x1C0] =	vst v1  }
0xb2: {  	[tilespmem:s16+$0x1B0] =	vst v1  }
0xb3: {  	[tilespmem:s16+$0x1A0] =	vst v1  }
0xb4: {  	[tilespmem:s16+$0x190] =	vst v1  }
0xb5: {  	[tilespmem:s16+$0x180] =	vst v1  }
0xb6: {  	[tilespmem:s16+$0x170] =	vst v1  }
0xb7: {  	[tilespmem:s16+$0x160] =	vst v1  }
0xb8: {  	[tilespmem:s16+$0x150] =	vst v1  }
0xb9: {  	[tilespmem:s16+$0x140] =	vst v1  }
0xba: {  	[tilespmem:s16+$0x130] =	vst v1  }
0xbb: {  	[tilespmem:s16+$0x120] =	vst v1  }
0xbc: {  	[tilespmem:s16+$0x110] =	vst v1  }
0xbd: {  	[tilespmem:s16+$0x100] =	vst v1  }
0xbe: {  	[tilespmem:s16+$0xF0] =	vst v1  }
0xbf: {  	[tilespmem:s16+$0xE0] =	vst v1  }
0xc0: {  	[tilespmem:s16+$0xD0] =	vst v1  }
0xc1: {  	[tilespmem:s16+$0xC0] =	vst v1  }
0xc2: {  	[tilespmem:s16+$0xB0] =	vst v1  }
0xc3: {  	[tilespmem:s16+$0xA0] =	vst v1  }
0xc4: {  	[tilespmem:s16+$0x90] =	vst v1  }
0xc5: {  	[tilespmem:s16+$0x80] =	vst v1  }
0xc6: {  	[tilespmem:s16+$0x70] =	vst v1  }
0xc7: {  	[tilespmem:s16+$0x60] =	vst v1  }
0xc8: {  	[tilespmem:s16+$0x50] =	vst v1  }
0xc9: {  	[tilespmem:s16+$0x40] =	vst v1  }
0xca: {  	[tilespmem:s16+$0x30] =	vst v1  }
0xcb: {  	[tilespmem:s16+$0x20] =	vst v1  }
0xcc: {  	[tilespmem:s16+$0x10] =	vst v1  }
0xcd: {  	[tilespmem:s16+$0x0] =	vst v1  }
0xce: {  	[tilespmem:s16+$0xFFFFFFF0] =	vst v1  }
0xcf: {  	[tilespmem:s16+$0xFFFFFFE0] =	vst v1  }
0xd0: {  	[tilespmem:s16+$0xFFFFFFD0] =	vst v1  }
0xd1: {  	[tilespmem:s16+$0xFFFFFFC0] =	vst v1  }
0xd2: {  	[tilespmem:s16+$0xFFFFFFB0] =	vst v1  }
0xd3: {  	[tilespmem:s16+$0xFFFFFFA0] =	vst v1  }
0xd4: {  	[tilespmem:s16+$0xFFFFFF90] =	vst v1  }
0xd5: {  	[tilespmem:s16+$0xFFFFFF80] =	vst v1  }
0xd6: {  	[tilespmem:s16+$0xFFFFFF70] =	vst v1  }
0xd7: {  	[tilespmem:s16+$0xFFFFFF60] =	vst v1  }
0xd8: {  	[tilespmem:s16+$0xFFFFFF50] =	vst v1  }
0xd9: {  	[tilespmem:s16+$0xFFFFFF40] =	vst v1  }
0xda: {  	[tilespmem:s16+$0xFFFFFF30] =	vst v1  }
0xdb: {  	[tilespmem:s16+$0xFFFFFF20] =	vst v1  }
0xdc: {  	[tilespmem:s16+$0xFFFFFF10] =	vst v1  }
0xdd: {  	[tilespmem:s16+$0xFFFFFF00] =	vst v1  }
0xde: {  	[tilespmem:s16+$0xFFFFFEF0] =	vst v1  }
0xdf: {  	[tilespmem:s16+$0xFFFFFEE0] =	vst v1  }
0xe0: {  	[tilespmem:s16+$0xFFFFFED0] =	vst v1  }
0xe1: {  	[tilespmem:s16+$0xFFFFFEC0] =	vst v1  }
0xe2: {  	[tilespmem:s16+$0xFFFFFEB0] =	vst v1  }
0xe3: {  	[tilespmem:s16+$0xFFFFFEA0] =	vst v1  }
0xe4: {  	[tilespmem:s16+$0xFFFFFE90] =	vst v1  }
0xe5: {  	[tilespmem:s16+$0xFFFFFE80] =	vst v1  }
0xe6: {  	[tilespmem:s16+$0xFFFFFE70] =	vst v1  }
0xe7: {  	[tilespmem:s16+$0xFFFFFE60] =	vst v1  }
0xe8: {  	[tilespmem:s16+$0xFFFFFE50] =	vst v1  }
0xe9: {  	[tilespmem:s16+$0xFFFFFE40] =	vst v1  }
0xea: {  	[tilespmem:s16+$0xFFFFFE30] =	vst v1  }
0xeb: {  	[tilespmem:s16+$0xFFFFFE20] =	vst v1  }
0xec: {  	[tilespmem:s16+$0xFFFFFE10] =	vst v1  }
0xed: {  	[tilespmem:s16+$0xFFFFFE00] =	vst v1  }
0xee: {  	[tilespmem:s16+$0xFFFFFDF0] =	vst v1  }
0xef: {  	[tilespmem:s16+$0xFFFFFDE0] =	vst v1  }
0xf0: {  	[tilespmem:s16+$0xFFFFFDD0] =	vst v1  }
0xf1: {  	[tilespmem:s16+$0xFFFFFDC0] =	vst v1  }
0xf2: {  	[tilespmem:s16+$0xFFFFFDB0] =	vst v1  }
0xf3: {  	[tilespmem:s16+$0xFFFFFDA0] =	vst v1  }
0xf4: {  	[tilespmem:s16+$0xFFFFFD90] =	vst v1  }
0xf5: {  	[tilespmem:s16+$0xFFFFFD80] =	vst v1  }
0xf6: {  	[tilespmem:s16+$0xFFFFFD70] =	vst v1  }
0xf7: {  	[tilespmem:s16+$0xFFFFFD60] =	vst v1  }
0xf8: {  	[tilespmem:s16+$0xFFFFFD50] =	vst v1  }
0xf9: {  	[tilespmem:s16+$0xFFFFFD40] =	vst v1  }
0xfa: {  	[tilespmem:s16+$0xFFFFFD30] =	vst v1  }
0xfb: {  	[tilespmem:s16+$0xFFFFFD20] =	vst v1  }
0xfc: {  	[tilespmem:s16+$0xFFFFFD10] =	vst v1  }
0xfd: {  	[tilespmem:s16+$0xFFFFFD00] =	vst v1  }
0xfe: {  	[tilespmem:s16+$0xFFFFFCF0] =	vst v1  }
0xff: {  	[tilespmem:s16+$0xFFFFFCE0] =	vst v1  }
0x100: {  	[tilespmem:s16+$0xFFFFFCD0] =	vst v1  }
0x101: {  	[tilespmem:s16+$0xFFFFFCC0] =	vst v1  }
0x102: {  	[tilespmem:s16+$0xFFFFFCB0] =	vst v1  }
0x103: {  	[tilespmem:s16+$0xFFFFFCA0] =	vst v1  }
0x104: {  	[tilespmem:s16+$0xFFFFFC90] =	vst v1  }
0x105: {  	[tilespmem:s16+$0xFFFFFC80] =	vst v1  }
.Ltmp0:
0x106: {  	[tilespmem:s16+$0xFFFFFC70] =	vst v1;
	(pc) =	sbr.rel @p0 .LBB2_2-.Ltmp0, $4  }
0x107: {  	[tilespmem:s16+$0xFFFFFC60] =	vst v1  }
0x108: {  	[tilespmem:s16+$0xFFFFFC50] =	vst v1  }
0x109: {  	[tilespmem:s16+$0xFFFFFC40] =	vst v1  }
0x10a: {  	[tilespmem:s16+$0xFFFFFC30] =	vst v1  }
0x10b: {  	s17 =	simm.s32 $0x0  }
0x10c: {  	v20 =	vmov s17  }
0x10d: {  	v20 =	vshrl.u32 v20, $0x3  }
0x10e: {  	v20 =	vshll.u32 v20, $0x3  }
0x10f: {  	v20 =	vbroadcast v20, $0x0;
	_ =	sdelay $0x1  }
0x110: {  	v21 =	vadd.s32 v0, v20  }
0x111: {  	[tilespmem:s16+$0xFFFFFC20] =	vst v1;
	v24 =	vadd.s32 v5, v20  }
0x112: {  	_ =	swait.ge [sflag:s9], $0x3E80;
	v22 =	vadd.s32 v10, v20  }
0x113: {  	s16 =	simm.s32 $0x8;
	[sflag:s9] =	ssyncset.done $0x0;
	v23 =	vadd.s32 v7, v20  }
0x114: {  	v28 =	vmov s16;
	[sflag:s9] =	ssyncadd.s32 $0xFFFFC180;
	v25 =	vadd.s32 v9, v20  }
0x115: {  	v28 =	vshrl.u32 v28, $0x3;
	v21 =	vld.idx.msk [tilespmem:v21+s2+$0x0], $0xffff  }
0x116: {  	v27 =	vadd.s32 v6, v20;
	v30 =	vld.idx.msk [tilespmem:v24+s2+$0x0], $0xffff;
	v24 =	vshll.u32 v28, $0x3  }
0x117: {  	v26 =	vadd.s32 v4, v20;
	v20 =	vadd.s32 v8, v20;
	v22 =	vld.idx.msk [tilespmem:v22+s2+$0x0], $0xffff;
	v24 =	vbroadcast v24, $0x0  }
0x118: {  	v23 =	vld.idx.msk [tilespmem:v23+s2+$0x0], $0xffff  }
0x119: {  	v28 =	vld.idx.msk [tilespmem:v25+s2+$0x0], $0xffff;
	v25 =	vadd.s32 v10, v24  }
0x11a: {  	v21 =	vadd.s32 v2, v21  }
0x11b: {  	v31 =	vld.idx.msk [tilespmem:v27+s2+$0x0], $0xffff;
	v27 =	vadd.s32 v0, v24  }
0x11c: {  	v33 =	vld.idx.msk [tilespmem:v20+s2+$0x0], $0xffff;
	v20 =	vadd.s32 v5, v24  }
0x11d: {  	v26 =	vld.idx.msk [tilespmem:v26+s2+$0x0], $0xffff;
	v22 =	vadd.s32 v2, v22  }
0x11e: {  	v23 =	vadd.s32 v2, v23;
	v25 =	vld.idx.msk [tilespmem:v25+s2+$0x0], $0xffff  }
0x11f: {  	[tilespmem:v21+s10+$0x0] =	vst.idx.add.f32.msk $0xffff, v3;
	v21 =	vadd.s32 v9, v24  }
0x120: {  	v34 =	vadd.s32 v7, v24;
	v29 =	vld.idx.msk [tilespmem:v27+s2+$0x0], $0xffff  }
0x121: {  	v32 =	vadd.s32 v2, v31;
	v20 =	vld.idx.msk [tilespmem:v20+s2+$0x0], $0xffff  }
0x122: {  	v27 =	vadd.s32 v4, v24;
	[tilespmem:v22+s10+$0x0] =	vst.idx.add.f32.msk $0xffff, v3  }
0x123: {  	[tilespmem:v23+s10+$0x0] =	vst.idx.add.f32.msk $0xffff, v3;
	v23 =	vadd.s32 v2, v28  }
0x124: {  	v31 =	vadd.s32 v2, v33;
	v22 =	vadd.s32 v2, v26;
	v26 =	vld.idx.msk [tilespmem:v21+s2+$0x0], $0xffff  }
0x125: {  	v28 =	vadd.s32 v6, v24;
	v24 =	vadd.s32 v8, v24;
	v21 =	vadd.s32 v2, v30;
	v30 =	vld.idx.msk [tilespmem:v34+s2+$0x0], $0xffff  }
.LBB2_4:
0x126: {  	s16 =	sadd.s32 $0x8, s16;
	[tilespmem:v32+s10+$0x0] =	vst.idx.add.f32.msk $0xffff, v3  }
0x127: {  	v32 =	vmov s16;
	p0 =	slt.u32 s16, $0x3E0;
	v33 =	vld.idx.msk [tilespmem:v27+s2+$0x0], $0xffff  }
0x128: {  	v27 =	vshrl.u32 v32, $0x3;
	[tilespmem:v23+s10+$0x0] =	vst.idx.add.f32.msk $0xffff, v3  }
0x129: {  	v29 =	vadd.s32 v2, v29;
	v23 =	vshll.u32 v27, $0x3;
	[tilespmem:v31+s10+$0x0] =	vst.idx.add.f32.msk $0xffff, v3  }
0x12a: {  	v25 =	vadd.s32 v2, v25;
	v31 =	vbroadcast v23, $0x0;
	[tilespmem:v22+s10+$0x0] =	vst.idx.add.f32.msk $0xffff, v3  }
0x12b: {  	v30 =	vadd.s32 v2, v30;
	v32 =	vld.idx.msk [tilespmem:v28+s2+$0x0], $0xffff  }
0x12c: {  	v34 =	vadd.s32 v0, v31;
	v35 =	vadd.s32 v9, v31;
	v36 =	vadd.s32 v10, v31;
	v37 =	vld.idx.msk [tilespmem:v24+s2+$0x0], $0xffff  }
0x12d: {  	v23 =	vadd.s32 v2, v26;
	v27 =	vadd.s32 v4, v31;
	[tilespmem:v21+s10+$0x0] =	vst.idx.add.f32.msk $0xffff, v3  }
0x12e: {  	v26 =	vadd.s32 v5, v31;
	v22 =	vadd.s32 v2, v33;
	[tilespmem:v29+s10+$0x0] =	vst.idx.add.f32.msk $0xffff, v3  }
0x12f: {  	v28 =	vadd.s32 v6, v31;
	[tilespmem:v25+s10+$0x0] =	vst.idx.add.f32.msk $0xffff, v3  }
0x130: {  	v33 =	vadd.s32 v7, v31;
	[tilespmem:v30+s10+$0x0] =	vst.idx.add.f32.msk $0xffff, v3  }
.Ltmp1:
0x131: {  	v24 =	vadd.s32 v8, v31;
	v21 =	vadd.s32 v2, v20;
	v32 =	vadd.s32 v2, v32;
	v25 =	vld.idx.msk [tilespmem:v36+s2+$0x0], $0xffff;
	(pc) =	sbr.rel @p0 .LBB2_4-.Ltmp1, $4  }
0x132: {  	v29 =	vld.idx.msk [tilespmem:v34+s2+$0x0], $0xffff  }
0x133: {  	v31 =	vadd.s32 v2, v37;
	v20 =	vld.idx.msk [tilespmem:v26+s2+$0x0], $0xffff  }
0x134: {  	v26 =	vld.idx.msk [tilespmem:v35+s2+$0x0], $0xffff  }
0x135: {  	v30 =	vld.idx.msk [tilespmem:v33+s2+$0x0], $0xffff  }
0x136: {  	_ =	sdelay $0x3  }
0x137: {  	[tilespmem:v32+s10+$0x0] =	vst.idx.add.f32.msk $0xffff, v3  }
0x138: {  	v28 =	vld.idx.msk [tilespmem:v28+s2+$0x0], $0xffff  }
0x139: {  	v24 =	vld.idx.msk [tilespmem:v24+s2+$0x0], $0xffff  }
0x13a: {  	[tilespmem:v23+s10+$0x0] =	vst.idx.add.f32.msk $0xffff, v3;
	v23 =	vadd.s32 v2, v25  }
0x13b: {  	v27 =	vld.idx.msk [tilespmem:v27+s2+$0x0], $0xffff;
	v29 =	vadd.s32 v2, v29  }
0x13c: {  	[tilespmem:v31+s10+$0x0] =	vst.idx.add.f32.msk $0xffff, v3;
	v20 =	vadd.s32 v2, v20  }
0x13d: {  	[tilespmem:v22+s10+$0x0] =	vst.idx.add.f32.msk $0xffff, v3;
	v22 =	vadd.s32 v2, v28  }
0x13e: {  	[tilespmem:v21+s10+$0x0] =	vst.idx.add.f32.msk $0xffff, v3;
	v26 =	vadd.s32 v2, v26  }
0x13f: {  	v21 =	vadd.s32 v2, v24;
	[tilespmem:v23+s10+$0x0] =	vst.idx.add.f32.msk $0xffff, v3  }
0x140: {  	s16 =	simm.s32 $0x0;
	v25 =	vadd.s32 v2, v30;
	[tilespmem:v29+s10+$0x0] =	vst.idx.add.f32.msk $0xffff, v3  }
0x141: {  	v24 =	vadd.s32 v2, v27;
	v23 =	vmov s16;
	[tilespmem:v20+s10+$0x0] =	vst.idx.add.f32.msk $0xffff, v3  }
0x142: {  	[tilespmem:v22+s10+$0x0] =	vst.idx.add.f32.msk $0xffff, v3;
	v22 =	vshrl.u32 v23, $0x3  }
0x143: {  	[tilespmem:v26+s10+$0x0] =	vst.idx.add.f32.msk $0xffff, v3;
	v22 =	vshll.u32 v22, $0x3  }
0x144: {  	[tilespmem:v21+s10+$0x0] =	vst.idx.add.f32.msk $0xffff, v3;
	v21 =	vbroadcast v22, $0x0  }
0x145: {  	[tilespmem:v25+s10+$0x0] =	vst.idx.add.f32.msk $0xffff, v3  }
0x146: {  	[tilespmem:v24+s10+$0x0] =	vst.idx.add.f32.msk $0xffff, v3;
	v20 =	vadd.s32 v11, v21  }
0x147: {  	[hbm4b:s5+s2] =	stream.linear.scatter [tilespmem:s10], [sflag:$0x3], $0x3F00, $0x38;
	v24 =	vadd.s32 v14, v21;
	[tilespmem:$0xFB00] =	vst v63  }
0x148: {  	_ =	swait.ge [sflag:s11], $0x3E80;
	v22 =	vadd.s32 v19, v21  }
0x149: {  	s16 =	simm.s32 $0x8;
	[sflag:s11] =	ssyncset.done $0x0;
	v23 =	vadd.s32 v16, v21  }
0x14a: {  	v28 =	vmov s16;
	[sflag:s11] =	ssyncadd.s32 $0xFFFFC180;
	v25 =	vadd.s32 v18, v21  }
0x14b: {  	v28 =	vshrl.u32 v28, $0x3;
	v27 =	vadd.s32 v15, v21;
	v20 =	vld.idx.msk [tilespmem:v20+s2+$0x0], $0xffff  }
0x14c: {  	v30 =	vld.idx.msk [tilespmem:v24+s2+$0x0], $0xffff;
	v24 =	vshll.u32 v28, $0x3  }
0x14d: {  	v26 =	vadd.s32 v13, v21;
	v22 =	vld.idx.msk [tilespmem:v22+s2+$0x0], $0xffff;
	v24 =	vbroadcast v24, $0x0  }
0x14e: {  	v21 =	vadd.s32 v17, v21;
	v23 =	vld.idx.msk [tilespmem:v23+s2+$0x0], $0xffff  }
0x14f: {  	v28 =	vld.idx.msk [tilespmem:v25+s2+$0x0], $0xffff;
	v25 =	vadd.s32 v19, v24  }
0x150: {  	v31 =	vld.idx.msk [tilespmem:v27+s2+$0x0], $0xffff;
	v27 =	vadd.s32 v11, v24  }
0x151: {  	v20 =	vadd.s32 v12, v20  }
0x152: {  	v26 =	vld.idx.msk [tilespmem:v26+s2+$0x0], $0xffff;
	v22 =	vadd.s32 v12, v22  }
0x153: {  	v33 =	vld.idx.msk [tilespmem:v21+s2+$0x0], $0xffff;
	v23 =	vadd.s32 v12, v23  }
0x154: {  	v21 =	vadd.s32 v14, v24;
	v25 =	vld.idx.msk [tilespmem:v25+s2+$0x0], $0xffff  }
0x155: {  	v63 =	vadd.s32 v18, v24;
	v29 =	vld.idx.msk [tilespmem:v27+s2+$0x0], $0xffff  }
0x156: {  	v34 =	vadd.s32 v16, v24;
	[tilespmem:v20+s10+$0x0] =	vst.idx.add.f32.msk $0xffff, v3  }
0x157: {  	v32 =	vadd.s32 v12, v31;
	[tilespmem:v22+s10+$0x0] =	vst.idx.add.f32.msk $0xffff, v3  }
0x158: {  	v27 =	vadd.s32 v13, v24;
	[tilespmem:v23+s10+$0x0] =	vst.idx.add.f32.msk $0xffff, v3  }
0x159: {  	v23 =	vadd.s32 v12, v28;
	v20 =	vld.idx.msk [tilespmem:v21+s2+$0x0], $0xffff  }
0x15a: {  	v31 =	vadd.s32 v12, v33;
	v22 =	vadd.s32 v12, v26;
	v26 =	vld.idx.msk [tilespmem:v63+s2+$0x0], $0xffff  }
0x15b: {  	v28 =	vadd.s32 v15, v24;
	v24 =	vadd.s32 v17, v24;
	v21 =	vadd.s32 v12, v30;
	v30 =	vld.idx.msk [tilespmem:v34+s2+$0x0], $0xffff  }
.LBB2_6:
0x15c: {  	s16 =	sadd.s32 $0x8, s16;
	[tilespmem:v32+s10+$0x0] =	vst.idx.add.f32.msk $0xffff, v3  }
0x15d: {  	v32 =	vmov s16;
	p0 =	slt.u32 s16, $0x3E0;
	v33 =	vld.idx.msk [tilespmem:v27+s2+$0x0], $0xffff  }
0x15e: {  	v27 =	vshrl.u32 v32, $0x3;
	[tilespmem:v23+s10+$0x0] =	vst.idx.add.f32.msk $0xffff, v3  }
0x15f: {  	v29 =	vadd.s32 v12, v29;
	v23 =	vshll.u32 v27, $0x3;
	[tilespmem:v31+s10+$0x0] =	vst.idx.add.f32.msk $0xffff, v3  }
0x160: {  	v25 =	vadd.s32 v12, v25;
	v31 =	vbroadcast v23, $0x0;
	[tilespmem:v22+s10+$0x0] =	vst.idx.add.f32.msk $0xffff, v3  }
0x161: {  	v30 =	vadd.s32 v12, v30;
	v32 =	vld.idx.msk [tilespmem:v28+s2+$0x0], $0xffff  }
0x162: {  	v34 =	vadd.s32 v11, v31;
	v35 =	vadd.s32 v18, v31;
	v36 =	vadd.s32 v19, v31;
	v37 =	vld.idx.msk [tilespmem:v24+s2+$0x0], $0xffff  }
0x163: {  	v23 =	vadd.s32 v12, v26;
	v27 =	vadd.s32 v13, v31;
	[tilespmem:v21+s10+$0x0] =	vst.idx.add.f32.msk $0xffff, v3  }
0x164: {  	v26 =	vadd.s32 v14, v31;
	v22 =	vadd.s32 v12, v33;
	[tilespmem:v29+s10+$0x0] =	vst.idx.add.f32.msk $0xffff, v3  }
0x165: {  	v28 =	vadd.s32 v15, v31;
	[tilespmem:v25+s10+$0x0] =	vst.idx.add.f32.msk $0xffff, v3  }
0x166: {  	v33 =	vadd.s32 v16, v31;
	[tilespmem:v30+s10+$0x0] =	vst.idx.add.f32.msk $0xffff, v3  }
.Ltmp2:
0x167: {  	v24 =	vadd.s32 v17, v31;
	v21 =	vadd.s32 v12, v20;
	v32 =	vadd.s32 v12, v32;
	v25 =	vld.idx.msk [tilespmem:v36+s2+$0x0], $0xffff;
	(pc) =	sbr.rel @p0 .LBB2_6-.Ltmp2, $4  }
0x168: {  	v29 =	vld.idx.msk [tilespmem:v34+s2+$0x0], $0xffff  }
0x169: {  	v31 =	vadd.s32 v12, v37;
	v20 =	vld.idx.msk [tilespmem:v26+s2+$0x0], $0xffff  }
0x16a: {  	v26 =	vld.idx.msk [tilespmem:v35+s2+$0x0], $0xffff  }
0x16b: {  	v30 =	vld.idx.msk [tilespmem:v33+s2+$0x0], $0xffff  }
0x16c: {  	_ =	sdelay $0x3  }
0x16d: {  	[tilespmem:v32+s10+$0x0] =	vst.idx.add.f32.msk $0xffff, v3  }
0x16e: {  	v28 =	vld.idx.msk [tilespmem:v28+s2+$0x0], $0xffff  }
0x16f: {  	v27 =	vld.idx.msk [tilespmem:v27+s2+$0x0], $0xffff  }
0x170: {  	v24 =	vld.idx.msk [tilespmem:v24+s2+$0x0], $0xffff;
	v59 =	vadd.s32 v12, v25  }
0x171: {  	[tilespmem:v23+s10+$0x0] =	vst.idx.add.f32.msk $0xffff, v3;
	v29 =	vadd.s32 v12, v29  }
0x172: {  	[tilespmem:v31+s10+$0x0] =	vst.idx.add.f32.msk $0xffff, v3;
	v20 =	vadd.s32 v12, v20  }
0x173: {  	[tilespmem:v22+s10+$0x0] =	vst.idx.add.f32.msk $0xffff, v3;
	v26 =	vadd.s32 v12, v26  }
0x174: {  	[tilespmem:v21+s10+$0x0] =	vst.idx.add.f32.msk $0xffff, v3;
	v60 =	vadd.s32 v12, v30  }
0x175: {  	v61 =	vadd.s32 v12, v28;
	[tilespmem:v59+s10+$0x0] =	vst.idx.add.f32.msk $0xffff, v3  }
0x176: {  	v62 =	vadd.s32 v12, v24;
	[tilespmem:v29+s10+$0x0] =	vst.idx.add.f32.msk $0xffff, v3  }
0x177: {  	v63 =	vadd.s32 v12, v27;
	[tilespmem:v20+s10+$0x0] =	vst.idx.add.f32.msk $0xffff, v3  }
0x178: {  	[tilespmem:v26+s10+$0x0] =	vst.idx.add.f32.msk $0xffff, v3  }
0x179: {  	[tilespmem:v60+s10+$0x0] =	vst.idx.add.f32.msk $0xffff, v3  }
0x17a: {  	[tilespmem:v61+s10+$0x0] =	vst.idx.add.f32.msk $0xffff, v3  }
0x17b: {  	[tilespmem:v62+s10+$0x0] =	vst.idx.add.f32.msk $0xffff, v3  }
0x17c: {  	[tilespmem:v63+s10+$0x0] =	vst.idx.add.f32.msk $0xffff, v3  }
0x17d: {  	s15 =	sadd.s32 $0x1, s15;
	_ =	swait.ge [sflag:s12], $0x3F00  }
0x17e: {  	p0 =	sne.s32 s15, s7;
	[sflag:s12] =	ssyncset.done $0x0  }
.Ltmp3:
0x17f: {  	[sflag:s12] =	ssyncadd.s32 $0xFFFFC100;
	(pc) =	sbr.rel @p0 .LBB2_1-.Ltmp3, $4  }
0x180: {  	[hbm4b:s6+s2] =	stream.linear.scatter [tilespmem:s13], [sflag:$0x4], $0x3F00, $0x38;
	[tilespmem:$0xFB00] =	vst v63  }
0x181: {  	_ =	swait.ge [sflag:s14], $0x3F00  }
0x182: {  	[sflag:s14] =	ssyncset.done $0x0  }
0x183: {  	[sflag:s14] =	ssyncadd.s32 $0xFFFFC100  }
0x184: {  	_ =	sfence.sel $0x180000  }
0x185: {  	[bflag:$0x0] =	sbarrier.arrive $0xFFFF  }
0x186: {  	p0 =	sne.s32 s0, $0x0;
	_ =	strace $0x90000047  }
0x187: {  	s0 =	sadd.s32 @!p0 $0x100000, s1;
	[bflag:$0x2] =	sbarrier.arrive $0xFFFF  }
0x188: {  	[sflag:s0] =	ssyncadd.tile.s32 @!p0 $0x1;
	_ =	shalt  }
.Lfunc_end2:
_tile_overlayer_lowered:
.L_overlay_start_2:
0x189: {  	(tag) =	ssettag $0x2  }
0x18a: {  	s0 =	rddreg [dreg:$0x0];
	s2 =	stileid.u32  }
0x18b: {  	s1 =	rddreg [dreg:$0x1];
	p0 =	sne.s32 s2, $0x0  }
0x18c: {  	s3 =	rddreg [dreg:$0x2];
	[bflag:$0x3] =	sbarrier.arrive $0xFFFF;
	s2 =	simm.s32 @!p0 $0x1C04  }
0x18d: {  	[timem:s3], [sflag:s2] =	dma.local @!p0 [hbm:s0], s1  }
0x18e: {  	s0 =	simm.s32 @!p0 $0x4  }
0x18f: {  	_ =	swait.ge @!p0 [sflag:s0], s1  }
0x190: {  	s1 =	ssub.s32 @!p0 $0x0, s1;
	[sflag:s0] =	ssyncset.done @!p0 $0x0  }
0x191: {  	[sflag:s0] =	ssyncadd.s32 @!p0 s1  }
0x192: {  	[bflag:$0x3] =	sbarrier.arrive $0xFFFF  }
0x193: {  	_ =	shalt  }

</sc_bundles>
